<compile_context>
chip_gen: v7x
topology: tpu7x:2x2x1
jax: 0.10.2.dev20260603
libtpu: 0.0.44.dev20260713+nightly
codegen_flags: <defaults>
</compile_context>

<pallas_src>
import functools

import jax
import jax.numpy as jnp
from jax import lax
from jax.experimental import pallas as pl
from jax.experimental.pallas import tpu as pltpu
from jax.experimental.pallas import tpu_sc as plsc

def _att_sc_body(nnode, objrow_hbm, att0_hbm, out_hbm, idxv, rowsv, sem):
    info = plsc.get_sparse_core_info()
    wid = lax.axis_index("s") * info.num_cores + lax.axis_index("c")

    @pl.when(wid == 0)
    def _():
        pltpu.sync_copy(objrow_hbm, idxv)
        idx = idxv[0, :]
        pltpu.async_copy(att0_hbm.at[idx], rowsv, sem).wait()
        pltpu.sync_copy(rowsv, out_hbm)


def _gather_att_sc(objrow, att0, nnode):
    feat = att0.shape[-1]
    mesh = plsc.VectorSubcoreMesh(core_axis_name="c", subcore_axis_name="s")
    body = functools.partial(_att_sc_body, nnode)
    fn = pl.kernel(
        body,
        mesh=mesh,
        out_type=jax.ShapeDtypeStruct((16, feat), jnp.float32),
        scratch_types=[
            pltpu.VMEM((1, 16), jnp.int32),
            pltpu.VMEM((16, feat), jnp.float32),
            pltpu.SemaphoreType.DMA,
        ],
    )
    return fn(objrow, att0)


def _gpn_core(nbatch, seg, nnode, nobj,
              obj_ref, pool_ref, a_ref, w1_ref, b1_ref, w2_ref,
              b2_ref, p1_ref, pb1_ref, p2_ref, pb2_ref, masks_ref,
              loss_ref, score_ref, objrow_ref, fc_ref, msk_ref, keep_ref):
    f32 = jnp.float32
    gb = 2 * nbatch * seg
    rows = 2 * seg

    lane = jax.lax.broadcasted_iota(jnp.int32, (rows, nobj), 1)
    z_rows = []
    for bb in range(nbatch):
        obj_b = obj_ref[bb * rows:(bb + 1) * rows, :]
        pool_b = pool_ref[bb * rows:(bb + 1) * rows, :]
        wp = jnp.zeros((rows, nobj), f32)
        for n in range(nnode):
            wp = wp + jnp.where(lane == obj_b[:, n:n + 1],
                                pool_b[:, n:n + 1], 0.0)
        aw = jax.lax.dot_general(a_ref[bb], w1_ref[...],
                                 (((1,), (1,)), ((), ())),
                                 preferred_element_type=f32)
        h = jnp.dot(wp, aw, preferred_element_type=f32) + b1_ref[...]
        h = jnp.maximum(h, 0.0)
        z_rows.append(jax.lax.dot_general(w2_ref[...], h,
                                          (((1,), (1,)), ((), ())),
                                          preferred_element_type=f32))
    z = jnp.concatenate(z_rows, axis=0)
    score = jax.nn.sigmoid(z + b2_ref[0, 0])

    col = jax.lax.broadcasted_iota(jnp.int32, (nbatch, rows), 1)
    logp = jnp.maximum(jnp.log(score), -100.0)
    log1m = jnp.maximum(jnp.log(1.0 - score), -100.0)
    contrib = jnp.where(col < seg, logp, log1m)
    loss_ref[0] = -jnp.sum(contrib) / gb

    s400 = score[0:1]
    i400 = jax.lax.broadcasted_iota(jnp.int32, (1, rows), 1)
    m = jnp.max(s400)
    r = jnp.max(jnp.where(s400 == m, i400, -1))
    keep_ref[0] = r
    score_ref[0] = m

    pool_row = pool_ref[pl.ds(r, 1), :]
    obj_row = obj_ref[pl.ds(r, 1), :]
    msk_ref[...] = masks_ref[pl.ds(r, 1), :]
    objrow_ref[...] = obj_row
    acc = jnp.zeros((1, a_ref.shape[2]), f32)
    for n in range(nnode):
        o = obj_row[0, n]
        rown = a_ref[0, pl.ds(o, 1), :]
        acc = acc + pool_row[0, n] * rown
    fc1 = jax.lax.dot_general(acc, p1_ref[...], (((1,), (1,)), ((), ())),
                              preferred_element_type=f32) + pb1_ref[...]
    fc2 = jax.lax.dot_general(fc1, p2_ref[...], (((1,), (1,)), ((), ())),
                              preferred_element_type=f32) + pb2_ref[...]
    fc_ref[...] = fc2


def kernel(b, N, K, L, gpn_obj_ind, gpn_pred_ind, gpn_nrel_ind, gpn_pool_mtx,
           att_feats, x_pred, fc_feats, att_masks, W1, b1, W2, b2, P1, pb1,
           P2, pb2):
    nbatch, _, seg, nnode = gpn_obj_ind.shape
    nobj = att_feats.shape[1]
    feat = att_feats.shape[2]
    hid = W1.shape[0]
    gb = 2 * nbatch * seg

    obj2 = gpn_obj_ind.reshape(gb, nnode).astype(jnp.int32)
    obj2 = jnp.pad(obj2, ((0, 0), (0, 16 - nnode)))
    pool2 = gpn_pool_mtx.reshape(gb, nnode)
    masks0 = att_masks.reshape(gb, nnode)

    core = functools.partial(_gpn_core, nbatch, seg, nnode, nobj)
    outs = pl.pallas_call(
        core,
        out_shape=[
            jax.ShapeDtypeStruct((1,), jnp.float32),
            jax.ShapeDtypeStruct((1,), jnp.float32),
            jax.ShapeDtypeStruct((1, 16), jnp.int32),
            jax.ShapeDtypeStruct((1, feat), jnp.float32),
            jax.ShapeDtypeStruct((1, nnode), jnp.float32),
            jax.ShapeDtypeStruct((1,), jnp.int32),
        ],
        out_specs=[
            pl.BlockSpec(memory_space=pltpu.SMEM),
            pl.BlockSpec(memory_space=pltpu.SMEM),
            pl.BlockSpec(),
            pl.BlockSpec(),
            pl.BlockSpec(),
            pl.BlockSpec(memory_space=pltpu.SMEM),
        ],
    )(obj2, pool2, att_feats, W1, b1.reshape(1, hid), W2,
      b2.reshape(1, 1), P1, pb1.reshape(1, hid), P2, pb2.reshape(1, feat),
      masks0)

    o_loss, o_score, o_objrow, o_fc, o_msk, o_keep = outs
    att = _gather_att_sc(o_objrow, att_feats[0], nnode)[0:nnode]
    return (o_loss.reshape(()), o_score, att[None], o_fc, o_msk, o_keep)

# --- scband reference (transcript-rebuilt; emitter-appended) ---
"""Pipeline reference for scband-gpn-layer-14809047236925 (READ-ONLY COPY).

The authoritative reference and input builder live on the scoring server;
editing this copy changes nothing except your own understanding.
"""

import jax, jax.numpy as jnp
import numpy as np

B = 5
S = 200
N_NODES = 10
K_EDGES = 20
L_FEAT = 2048
N_OBJ = 37
N_PRED = 64
HID = 512
IOU_THRES = 0.75
MAX_SUBGRAPHS = 1

def _uniform(key, shape, fan_in):
    bound = 1.0 / np.sqrt(fan_in)
    return jax.random.uniform(key, shape, jnp.float32, -bound, bound)

def setup_inputs(seed: int = 0):
    key = jax.random.key(seed)
    ks = jax.random.split(key, 12)
    inp = {}
    inp['b'] = B
    inp['N'] = N_NODES
    inp['K'] = K_EDGES
    inp['L'] = L_FEAT
    inp['gpn_obj_ind'] = jax.random.randint(ks[0], (B, 2, S, N_NODES), 0, 36)
    inp['gpn_pred_ind'] = jax.random.randint(ks[1], (B, 2, S, K_EDGES), 0, N_PRED)
    inp['gpn_nrel_ind'] = jax.random.randint(ks[2], (B, 2, S, K_EDGES), 0, N_PRED)
    inp['gpn_pool_mtx'] = jax.random.uniform(ks[3], (B, 2, S, N_NODES), jnp.float32)
    inp['att_feats'] = jax.random.normal(ks[4], (B, N_OBJ, L_FEAT), jnp.float32)
    inp['x_pred'] = jax.random.normal(ks[5], (B, N_PRED, L_FEAT), jnp.float32)
    inp['fc_feats'] = jax.random.normal(ks[6], (B, L_FEAT), jnp.float32)
    inp['att_masks'] = jnp.ones((B, 2, S, N_NODES), jnp.float32)
    inp['W1'] = _uniform(ks[7], (HID, L_FEAT), L_FEAT)
    inp['b1'] = jnp.zeros((HID,), jnp.float32)
    inp['W2'] = _uniform(ks[8], (1, HID), HID)
    inp['b2'] = jnp.zeros((1,), jnp.float32)
    inp['P1'] = _uniform(ks[9], (HID, L_FEAT), L_FEAT)
    inp['pb1'] = jnp.zeros((HID,), jnp.float32)
    inp['P2'] = _uniform(ks[10], (L_FEAT, HID), HID)
    inp['pb2'] = jnp.zeros((L_FEAT,), jnp.float32)
    return inp

def _subgraph_nms(gpn_score, all_obj_ind, masks):
    sort_ind = jnp.flip(jnp.argsort(gpn_score))
    obj = all_obj_ind[sort_ind]
    m = masks[sort_ind]
    n = sort_ind.shape[0]
    oh = jax.nn.one_hot(obj, N_OBJ, dtype=jnp.float32) * (m != 0).astype(jnp.float32)[..., None]
    memb = (jnp.sum(oh, axis=1) > 0).astype(jnp.float32)
    sizes = jnp.sum(memb, axis=1)
    inter = memb @ memb.T
    union = sizes[:, None] + sizes[None, :] - inter
    iou = jnp.where(union > 0, inter / jnp.where(union > 0, union, 1.0), 0.0)
    idx = jnp.arange(n)
    def body(i, keep):
        sup = (iou[i] > IOU_THRES) & (idx > i)
        return jnp.where(keep[i] & sup, False, keep)
    keep = jax.lax.fori_loop(0, n, body, jnp.ones((n,), bool))
    first = jnp.argmax(keep)
    return sort_ind[first][None][:MAX_SUBGRAPHS]

def reference(b, N, K, L, gpn_obj_ind, gpn_pred_ind, gpn_nrel_ind, gpn_pool_mtx, att_feats, x_pred, fc_feats, att_masks, W1, b1, W2, b2, P1, pb1, P2, pb2):
    Sg = gpn_obj_ind.shape[-2]
    b_s = gpn_obj_ind.shape[0]
    N_s = gpn_obj_ind.shape[-1]
    K_s = gpn_pred_ind.shape[-1]
    L_s = att_feats.shape[-1]
    # extract_subgraph_feats
    pos_obj = gpn_obj_ind[:, 0]
    neg_obj = gpn_obj_ind[:, 1]
    obj_batch = jnp.repeat(jnp.arange(b_s), Sg * N_s)
    pos_att = att_feats[obj_batch, pos_obj.reshape(-1)]
    neg_att = att_feats[obj_batch, neg_obj.reshape(-1)]
    pred_batch = jnp.repeat(jnp.arange(b_s), Sg * K_s)
    pos_pred = x_pred[pred_batch, gpn_pred_ind[:, 0].reshape(-1)]
    neg_pred = x_pred[pred_batch, gpn_pred_ind[:, 1].reshape(-1)]
    gpn_att = jnp.concatenate([pos_att.reshape(-1, N_s, L_s), neg_att.reshape(-1, N_s, L_s)], axis=0)
    gpn_pred = jnp.concatenate([pos_pred.reshape(-1, K_s, L_s), neg_pred.reshape(-1, K_s, L_s)], axis=0)
    gb = gpn_att.shape[0]
    # graph_pooling (weighted pooling over subgraph nodes)
    pool = jnp.transpose(gpn_pool_mtx, (1, 0, 2, 3)).reshape(-1, 1, N_s)
    read_out = jnp.matmul(pool, gpn_att).squeeze(1)
    # gpn_fc (dropout is identity in eval) + sigmoid
    h = jax.nn.relu(read_out @ W1.T + b1)
    score = jax.nn.sigmoid(h @ W2.T + b2)
    target = jnp.concatenate([jnp.ones((gb // 2, 1), jnp.float32), jnp.zeros((gb // 2, 1), jnp.float32)], axis=0)
    logp = jnp.clip(jnp.log(score), -100.0, None)
    log1m = jnp.clip(jnp.log(1.0 - score), -100.0, None)
    gpn_loss = -jnp.mean(target * logp + (1.0 - target) * log1m)
    gpn_loss = gpn_loss + 0.0 * (b + N + K + L)
    # test_LSTM path
    gs = score.squeeze().reshape(2, b_s, Sg)
    gpn_score = jnp.transpose(gs, (1, 0, 2))[0].reshape(-1)
    sen_batch = gpn_score.shape[0]
    all_obj = gpn_obj_ind[0].reshape(-1, N_s)
    att_out = att_feats[0][all_obj.reshape(-1)].reshape(sen_batch, N_s, L_s)
    s_masks = att_masks[0].reshape(-1, N_s)
    ro4 = read_out.reshape(2, b_s, Sg, read_out.shape[-1])
    all_ro = jnp.transpose(ro4, (1, 0, 2, 3))[0].reshape(-1, read_out.shape[-1])
    fc_out = (all_ro @ P1.T + pb1) @ P2.T + pb2
    keep_ind = _subgraph_nms(gpn_score, all_obj, s_masks)
    return (gpn_loss, gpn_score[keep_ind], att_out[keep_ind], fc_out[keep_ind], s_masks[keep_ind], keep_ind)

if __name__ == "__main__":
    import jax
    _d = setup_inputs()
    print(jax.jit(kernel)(*tuple(_d.values())))

</pallas_src>

<mosaic_0001>
#map = affine_map<(d0, d1) -> (0, 0)>
module attributes {stable_mosaic.version = 14 : i64} {
  func.func @_att_sc_body(%arg0: i32, %arg1: i32, %arg2: memref<1x16xi32, #tpu.memory_space<hbm>>, %arg3: memref<37x2048xf32, #tpu.memory_space<hbm>>, %arg4: memref<16x2048xf32, #tpu.memory_space<hbm>>, %arg5: memref<1x16xi32, #tpu.memory_space<vmem>>, %arg6: memref<16x2048xf32, #tpu.memory_space<vmem>>, %arg7: memref<!tpu.dma_semaphore, #tpu.memory_space<semaphore_mem>>) attributes {dimension_semantics = [#tpu.dimension_semantics<core_parallel>, #tpu.dimension_semantics<subcore_parallel>], iteration_bounds = array<i64: 2, 16>, scalar_prefetch = 0 : i64, scratch_operands = 3 : i64, tpu.core_type = #tpu.core_type<sc_vector_subcore>, window_params = [{transform_indices = #map}, {transform_indices = #map}, {transform_indices = #map}]} {
    %mul3A = arith.constant 2 : i32
    %mul3A_0 = arith.muli %arg1, %mul3A : i32
    %add3A = arith.addi %mul3A_0, %arg0 : i32
    %eq3A = arith.constant 0 : i32
    %eq3A_1 = arith.cmpi eq, %add3A, %eq3A : i32
    %convert_element_type3A = arith.extui %eq3A_1 : i1 to i32
    %cond3A = arith.constant 0 : i32
    %cond3A_2 = arith.cmpi ne, %convert_element_type3A, %cond3A : i32
    scf.if %cond3A_2 {
      "tpu.region"() ({
        %run_scoped3A = tpu.sem_alloc : memref<!tpu.dma_semaphore, #tpu.memory_space<semaphore_mem>>
        tpu.enqueue_dma source(%arg2 : memref<1x16xi32, #tpu.memory_space<hbm>>) target(%arg5 : memref<1x16xi32, #tpu.memory_space<vmem>>) target_semaphore(%run_scoped3A : memref<!tpu.dma_semaphore, #tpu.memory_space<semaphore_mem>>)
        tpu.wait_dma2 semaphore(%run_scoped3A : memref<!tpu.dma_semaphore, #tpu.memory_space<semaphore_mem>>) src(%arg2 : memref<1x16xi32, #tpu.memory_space<hbm>>) dst(%arg5 : memref<1x16xi32, #tpu.memory_space<vmem>>)
        tpu.yield
      }) : () -> ()
      %get3A = arith.constant 0 : i32
      %get3A_3 = arith.index_cast %get3A : i32 to index
      %get3A_4 = arith.constant 0 : index
      %get3A_5 = tpu.vector_load %arg5[%get3A_3, %get3A_4] {strides = array<i32>} : memref<1x16xi32, #tpu.memory_space<vmem>>, vector<1x16xi32>,
      %get3A_6 = vector.shape_cast %get3A_5 : vector<1x16xi32> to vector<16xi32>
      %dma_start3A = arith.constant 0 : i32
      %dma_start3A_7 = arith.constant 0 : i32
      %dma_start3A_8 = tpu.memref_slice %arg3[%dma_start3A, %dma_start3A_7] : memref<37x2048xf32, #tpu.memory_space<hbm>> -> memref<37x2048xf32, #tpu.memory_space<hbm>>
      tpu.enqueue_indirect_dma source(%dma_start3A_8 : memref<37x2048xf32, #tpu.memory_space<hbm>>) target(%arg6 : memref<16x2048xf32, #tpu.memory_space<vmem>>) offsets(%get3A_6 : vector<16xi32>) semaphore(%arg7 : memref<!tpu.dma_semaphore, #tpu.memory_space<semaphore_mem>>)
      %dma_wait3A = arith.constant 0 : i32
      %dma_wait3A_9 = arith.constant 0 : i32
      %dma_wait3A_10 = tpu.memref_slice %arg3[%dma_wait3A, %dma_wait3A_9] : memref<37x2048xf32, #tpu.memory_space<hbm>> -> memref<37x2048xf32, #tpu.memory_space<hbm>>
      tpu.wait_indirect_dma semaphore(%arg7 : memref<!tpu.dma_semaphore, #tpu.memory_space<semaphore_mem>>) src(%dma_wait3A_10 : memref<37x2048xf32, #tpu.memory_space<hbm>>) dst(%arg6 : memref<16x2048xf32, #tpu.memory_space<vmem>>)
      "tpu.region"() ({
        %run_scoped3A = tpu.sem_alloc : memref<!tpu.dma_semaphore, #tpu.memory_space<semaphore_mem>>
        tpu.enqueue_dma source(%arg6 : memref<16x2048xf32, #tpu.memory_space<vmem>>) target(%arg4 : memref<16x2048xf32, #tpu.memory_space<hbm>>) target_semaphore(%run_scoped3A : memref<!tpu.dma_semaphore, #tpu.memory_space<semaphore_mem>>)
        tpu.wait_dma2 semaphore(%run_scoped3A : memref<!tpu.dma_semaphore, #tpu.memory_space<semaphore_mem>>) src(%arg6 : memref<16x2048xf32, #tpu.memory_space<vmem>>) dst(%arg4 : memref<16x2048xf32, #tpu.memory_space<hbm>>)
        tpu.yield
      }) : () -> ()
    } else {
    }
    return
  }
}

module attributes {stable_mosaic.version = 14 : i64} {
  func.func @_gpn_core(%arg0: memref<2000x16xi32, #tpu.memory_space<vmem>>, %arg1: memref<2000x10xf32, #tpu.memory_space<vmem>>, %arg2: memref<5x37x2048xf32, #tpu.memory_space<vmem>>, %arg3: memref<512x2048xf32, #tpu.memory_space<vmem>>, %arg4: memref<1x512xf32, #tpu.memory_space<vmem>>, %arg5: memref<1x512xf32, #tpu.memory_space<vmem>>, %arg6: memref<1x1xf32, #tpu.memory_space<vmem>>, %arg7: memref<512x2048xf32, #tpu.memory_space<vmem>>, %arg8: memref<1x512xf32, #tpu.memory_space<vmem>>, %arg9: memref<2048x512xf32, #tpu.memory_space<vmem>>, %arg10: memref<1x2048xf32, #tpu.memory_space<vmem>>, %arg11: memref<2000x10xf32, #tpu.memory_space<vmem>>, %arg12: memref<1xf32, #tpu.memory_space<smem>>, %arg13: memref<1xf32, #tpu.memory_space<smem>>, %arg14: memref<1x16xi32, #tpu.memory_space<vmem>>, %arg15: memref<1x2048xf32, #tpu.memory_space<vmem>>, %arg16: memref<1x10xf32, #tpu.memory_space<vmem>>, %arg17: memref<1xi32, #tpu.memory_space<smem>>) attributes {dimension_semantics = [], scalar_prefetch = 0 : i64, scratch_operands = 0 : i64, tpu.core_type = #tpu.core_type<tc>} {
    %iota3A = tpu.iota {dimensions = array<i32: 1>} : vector<400x37xi32>
    %get3A = arith.constant 0 : index
    %get3A_0 = arith.constant 0 : index
    %get3A_1 = vector.load %arg0[%get3A, %get3A_0] : memref<2000x16xi32, #tpu.memory_space<vmem>>, vector<400x16xi32>
    %get3A_2 = arith.constant 0 : index
    %get3A_3 = arith.constant 0 : index
    %get3A_4 = vector.load %arg1[%get3A_2, %get3A_3] : memref<2000x10xf32, #tpu.memory_space<vmem>>, vector<400x10xf32>
    %broadcast_in_dim3A = arith.constant 0.000000e+00 : f32
    %broadcast_in_dim3A_5 = vector.broadcast %broadcast_in_dim3A : f32 to vector<400x37xf32>
    %slice3A = vector.extract_strided_slice %get3A_1 {offsets = [0, 0], sizes = [400, 1], strides = [1, 1]} : vector<400x16xi32> to vector<400x1xi32>
    %eq3A = vector.broadcast %slice3A : vector<400x1xi32> to vector<400x37xi32>
    %eq3A_6 = arith.cmpi eq, %iota3A, %eq3A : vector<400x37xi32>
    %slice3A_7 = vector.extract_strided_slice %get3A_4 {offsets = [0, 0], sizes = [400, 1], strides = [1, 1]} : vector<400x10xf32> to vector<400x1xf32>
    %jit3A = arith.constant 0.000000e+00 : f32
    %broadcast_in_dim3A_8 = vector.shape_cast %slice3A_7 : vector<400x1xf32> to vector<400x1xf32>
    %broadcast_in_dim3A_9 = vector.broadcast %broadcast_in_dim3A_8 : vector<400x1xf32> to vector<400x37xf32>
    %broadcast_in_dim3A_10 = vector.broadcast %jit3A : f32 to vector<400x37xf32>
    %select_n3A = arith.select %eq3A_6, %broadcast_in_dim3A_9, %broadcast_in_dim3A_10 : vector<400x37xi1>, vector<400x37xf32>
    %add3A = arith.addf %broadcast_in_dim3A_5, %select_n3A : vector<400x37xf32>
    %slice3A_11 = vector.extract_strided_slice %get3A_1 {offsets = [0, 1], sizes = [400, 1], strides = [1, 1]} : vector<400x16xi32> to vector<400x1xi32>
    %eq3A_12 = vector.broadcast %slice3A_11 : vector<400x1xi32> to vector<400x37xi32>
    %eq3A_13 = arith.cmpi eq, %iota3A, %eq3A_12 : vector<400x37xi32>
    %slice3A_14 = vector.extract_strided_slice %get3A_4 {offsets = [0, 1], sizes = [400, 1], strides = [1, 1]} : vector<400x10xf32> to vector<400x1xf32>
    %jit3A_15 = arith.constant 0.000000e+00 : f32
    %broadcast_in_dim3A_16 = vector.shape_cast %slice3A_14 : vector<400x1xf32> to vector<400x1xf32>
    %broadcast_in_dim3A_17 = vector.broadcast %broadcast_in_dim3A_16 : vector<400x1xf32> to vector<400x37xf32>
    %broadcast_in_dim3A_18 = vector.broadcast %jit3A_15 : f32 to vector<400x37xf32>
    %select_n3A_19 = arith.select %eq3A_13, %broadcast_in_dim3A_17, %broadcast_in_dim3A_18 : vector<400x37xi1>, vector<400x37xf32>
    %add3A_20 = arith.addf %add3A, %select_n3A_19 : vector<400x37xf32>
    %slice3A_21 = vector.extract_strided_slice %get3A_1 {offsets = [0, 2], sizes = [400, 1], strides = [1, 1]} : vector<400x16xi32> to vector<400x1xi32>
    %eq3A_22 = vector.broadcast %slice3A_21 : vector<400x1xi32> to vector<400x37xi32>
    %eq3A_23 = arith.cmpi eq, %iota3A, %eq3A_22 : vector<400x37xi32>
    %slice3A_24 = vector.extract_strided_slice %get3A_4 {offsets = [0, 2], sizes = [400, 1], strides = [1, 1]} : vector<400x10xf32> to vector<400x1xf32>
    %jit3A_25 = arith.constant 0.000000e+00 : f32
    %broadcast_in_dim3A_26 = vector.shape_cast %slice3A_24 : vector<400x1xf32> to vector<400x1xf32>
    %broadcast_in_dim3A_27 = vector.broadcast %broadcast_in_dim3A_26 : vector<400x1xf32> to vector<400x37xf32>
    %broadcast_in_dim3A_28 = vector.broadcast %jit3A_25 : f32 to vector<400x37xf32>
    %select_n3A_29 = arith.select %eq3A_23, %broadcast_in_dim3A_27, %broadcast_in_dim3A_28 : vector<400x37xi1>, vector<400x37xf32>
    %add3A_30 = arith.addf %add3A_20, %select_n3A_29 : vector<400x37xf32>
    %slice3A_31 = vector.extract_strided_slice %get3A_1 {offsets = [0, 3], sizes = [400, 1], strides = [1, 1]} : vector<400x16xi32> to vector<400x1xi32>
    %eq3A_32 = vector.broadcast %slice3A_31 : vector<400x1xi32> to vector<400x37xi32>
    %eq3A_33 = arith.cmpi eq, %iota3A, %eq3A_32 : vector<400x37xi32>
    %slice3A_34 = vector.extract_strided_slice %get3A_4 {offsets = [0, 3], sizes = [400, 1], strides = [1, 1]} : vector<400x10xf32> to vector<400x1xf32>
    %jit3A_35 = arith.constant 0.000000e+00 : f32
    %broadcast_in_dim3A_36 = vector.shape_cast %slice3A_34 : vector<400x1xf32> to vector<400x1xf32>
    %broadcast_in_dim3A_37 = vector.broadcast %broadcast_in_dim3A_36 : vector<400x1xf32> to vector<400x37xf32>
    %broadcast_in_dim3A_38 = vector.broadcast %jit3A_35 : f32 to vector<400x37xf32>
    %select_n3A_39 = arith.select %eq3A_33, %broadcast_in_dim3A_37, %broadcast_in_dim3A_38 : vector<400x37xi1>, vector<400x37xf32>
    %add3A_40 = arith.addf %add3A_30, %select_n3A_39 : vector<400x37xf32>
    %slice3A_41 = vector.extract_strided_slice %get3A_1 {offsets = [0, 4], sizes = [400, 1], strides = [1, 1]} : vector<400x16xi32> to vector<400x1xi32>
    %eq3A_42 = vector.broadcast %slice3A_41 : vector<400x1xi32> to vector<400x37xi32>
    %eq3A_43 = arith.cmpi eq, %iota3A, %eq3A_42 : vector<400x37xi32>
    %slice3A_44 = vector.extract_strided_slice %get3A_4 {offsets = [0, 4], sizes = [400, 1], strides = [1, 1]} : vector<400x10xf32> to vector<400x1xf32>
    %jit3A_45 = arith.constant 0.000000e+00 : f32
    %broadcast_in_dim3A_46 = vector.shape_cast %slice3A_44 : vector<400x1xf32> to vector<400x1xf32>
    %broadcast_in_dim3A_47 = vector.broadcast %broadcast_in_dim3A_46 : vector<400x1xf32> to vector<400x37xf32>
    %broadcast_in_dim3A_48 = vector.broadcast %jit3A_45 : f32 to vector<400x37xf32>
    %select_n3A_49 = arith.select %eq3A_43, %broadcast_in_dim3A_47, %broadcast_in_dim3A_48 : vector<400x37xi1>, vector<400x37xf32>
    %add3A_50 = arith.addf %add3A_40, %select_n3A_49 : vector<400x37xf32>
    %slice3A_51 = vector.extract_strided_slice %get3A_1 {offsets = [0, 5], sizes = [400, 1], strides = [1, 1]} : vector<400x16xi32> to vector<400x1xi32>
    %eq3A_52 = vector.broadcast %slice3A_51 : vector<400x1xi32> to vector<400x37xi32>
    %eq3A_53 = arith.cmpi eq, %iota3A, %eq3A_52 : vector<400x37xi32>
    %slice3A_54 = vector.extract_strided_slice %get3A_4 {offsets = [0, 5], sizes = [400, 1], strides = [1, 1]} : vector<400x10xf32> to vector<400x1xf32>
    %jit3A_55 = arith.constant 0.000000e+00 : f32
    %broadcast_in_dim3A_56 = vector.shape_cast %slice3A_54 : vector<400x1xf32> to vector<400x1xf32>
    %broadcast_in_dim3A_57 = vector.broadcast %broadcast_in_dim3A_56 : vector<400x1xf32> to vector<400x37xf32>
    %broadcast_in_dim3A_58 = vector.broadcast %jit3A_55 : f32 to vector<400x37xf32>
    %select_n3A_59 = arith.select %eq3A_53, %broadcast_in_dim3A_57, %broadcast_in_dim3A_58 : vector<400x37xi1>, vector<400x37xf32>
    %add3A_60 = arith.addf %add3A_50, %select_n3A_59 : vector<400x37xf32>
    %slice3A_61 = vector.extract_strided_slice %get3A_1 {offsets = [0, 6], sizes = [400, 1], strides = [1, 1]} : vector<400x16xi32> to vector<400x1xi32>
    %eq3A_62 = vector.broadcast %slice3A_61 : vector<400x1xi32> to vector<400x37xi32>
    %eq3A_63 = arith.cmpi eq, %iota3A, %eq3A_62 : vector<400x37xi32>
    %slice3A_64 = vector.extract_strided_slice %get3A_4 {offsets = [0, 6], sizes = [400, 1], strides = [1, 1]} : vector<400x10xf32> to vector<400x1xf32>
    %jit3A_65 = arith.constant 0.000000e+00 : f32
    %broadcast_in_dim3A_66 = vector.shape_cast %slice3A_64 : vector<400x1xf32> to vector<400x1xf32>
    %broadcast_in_dim3A_67 = vector.broadcast %broadcast_in_dim3A_66 : vector<400x1xf32> to vector<400x37xf32>
    %broadcast_in_dim3A_68 = vector.broadcast %jit3A_65 : f32 to vector<400x37xf32>
    %select_n3A_69 = arith.select %eq3A_63, %broadcast_in_dim3A_67, %broadcast_in_dim3A_68 : vector<400x37xi1>, vector<400x37xf32>
    %add3A_70 = arith.addf %add3A_60, %select_n3A_69 : vector<400x37xf32>
    %slice3A_71 = vector.extract_strided_slice %get3A_1 {offsets = [0, 7], sizes = [400, 1], strides = [1, 1]} : vector<400x16xi32> to vector<400x1xi32>
    %eq3A_72 = vector.broadcast %slice3A_71 : vector<400x1xi32> to vector<400x37xi32>
    %eq3A_73 = arith.cmpi eq, %iota3A, %eq3A_72 : vector<400x37xi32>
    %slice3A_74 = vector.extract_strided_slice %get3A_4 {offsets = [0, 7], sizes = [400, 1], strides = [1, 1]} : vector<400x10xf32> to vector<400x1xf32>
    %jit3A_75 = arith.constant 0.000000e+00 : f32
    %broadcast_in_dim3A_76 = vector.shape_cast %slice3A_74 : vector<400x1xf32> to vector<400x1xf32>
    %broadcast_in_dim3A_77 = vector.broadcast %broadcast_in_dim3A_76 : vector<400x1xf32> to vector<400x37xf32>
    %broadcast_in_dim3A_78 = vector.broadcast %jit3A_75 : f32 to vector<400x37xf32>
    %select_n3A_79 = arith.select %eq3A_73, %broadcast_in_dim3A_77, %broadcast_in_dim3A_78 : vector<400x37xi1>, vector<400x37xf32>
    %add3A_80 = arith.addf %add3A_70, %select_n3A_79 : vector<400x37xf32>
    %slice3A_81 = vector.extract_strided_slice %get3A_1 {offsets = [0, 8], sizes = [400, 1], strides = [1, 1]} : vector<400x16xi32> to vector<400x1xi32>
    %eq3A_82 = vector.broadcast %slice3A_81 : vector<400x1xi32> to vector<400x37xi32>
    %eq3A_83 = arith.cmpi eq, %iota3A, %eq3A_82 : vector<400x37xi32>
    %slice3A_84 = vector.extract_strided_slice %get3A_4 {offsets = [0, 8], sizes = [400, 1], strides = [1, 1]} : vector<400x10xf32> to vector<400x1xf32>
    %jit3A_85 = arith.constant 0.000000e+00 : f32
    %broadcast_in_dim3A_86 = vector.shape_cast %slice3A_84 : vector<400x1xf32> to vector<400x1xf32>
    %broadcast_in_dim3A_87 = vector.broadcast %broadcast_in_dim3A_86 : vector<400x1xf32> to vector<400x37xf32>
    %broadcast_in_dim3A_88 = vector.broadcast %jit3A_85 : f32 to vector<400x37xf32>
    %select_n3A_89 = arith.select %eq3A_83, %broadcast_in_dim3A_87, %broadcast_in_dim3A_88 : vector<400x37xi1>, vector<400x37xf32>
    %add3A_90 = arith.addf %add3A_80, %select_n3A_89 : vector<400x37xf32>
    %slice3A_91 = vector.extract_strided_slice %get3A_1 {offsets = [0, 9], sizes = [400, 1], strides = [1, 1]} : vector<400x16xi32> to vector<400x1xi32>
    %eq3A_92 = vector.broadcast %slice3A_91 : vector<400x1xi32> to vector<400x37xi32>
    %eq3A_93 = arith.cmpi eq, %iota3A, %eq3A_92 : vector<400x37xi32>
    %slice3A_94 = vector.extract_strided_slice %get3A_4 {offsets = [0, 9], sizes = [400, 1], strides = [1, 1]} : vector<400x10xf32> to vector<400x1xf32>
    %jit3A_95 = arith.constant 0.000000e+00 : f32
    %broadcast_in_dim3A_96 = vector.shape_cast %slice3A_94 : vector<400x1xf32> to vector<400x1xf32>
    %broadcast_in_dim3A_97 = vector.broadcast %broadcast_in_dim3A_96 : vector<400x1xf32> to vector<400x37xf32>
    %broadcast_in_dim3A_98 = vector.broadcast %jit3A_95 : f32 to vector<400x37xf32>
    %select_n3A_99 = arith.select %eq3A_93, %broadcast_in_dim3A_97, %broadcast_in_dim3A_98 : vector<400x37xi1>, vector<400x37xf32>
    %add3A_100 = arith.addf %add3A_90, %select_n3A_99 : vector<400x37xf32>
    %get3A_101 = arith.constant 0 : index
    %get3A_102 = arith.constant 0 : index
    %get3A_103 = arith.constant 0 : index
    %get3A_104 = vector.load %arg2[%get3A_101, %get3A_102, %get3A_103] : memref<5x37x2048xf32, #tpu.memory_space<vmem>>, vector<1x37x2048xf32>
    %get3A_105 = vector.shape_cast %get3A_104 : vector<1x37x2048xf32> to vector<37x2048xf32>
    %get3A_106 = arith.constant 0 : index
    %get3A_107 = arith.constant 0 : index
    %get3A_108 = vector.load %arg3[%get3A_106, %get3A_107] : memref<512x2048xf32, #tpu.memory_space<vmem>>, vector<512x2048xf32>
    %dot_general3A = arith.constant dense<0.000000e+00> : vector<37x512xf32>
    %dot_general3A_109 = tpu.matmul %get3A_105, %get3A_108, %dot_general3A {dimension_numbers = #tpu.dot_dimension_numbers<[1], [1], [0], [0], [0, 0, 1, 0], [], []>, transpose_lhs_hint = false} : vector<37x2048xf32>, vector<512x2048xf32>, vector<37x512xf32> -> vector<37x512xf32>
    %dot_general3A_110 = arith.constant dense<0.000000e+00> : vector<400x512xf32>
    %dot_general3A_111 = tpu.matmul %add3A_100, %dot_general3A_109, %dot_general3A_110 {dimension_numbers = #tpu.dot_dimension_numbers<[1], [0], [0], [1], [0, 0, 1, 1], [], []>, transpose_lhs_hint = false} : vector<400x37xf32>, vector<37x512xf32>, vector<400x512xf32> -> vector<400x512xf32>
    %get3A_112 = arith.constant 0 : index
    %get3A_113 = arith.constant 0 : index
    %get3A_114 = vector.load %arg4[%get3A_112, %get3A_113] : memref<1x512xf32, #tpu.memory_space<vmem>>, vector<1x512xf32>
    %add3A_115 = vector.broadcast %get3A_114 : vector<1x512xf32> to vector<400x512xf32>
    %add3A_116 = arith.addf %dot_general3A_111, %add3A_115 : vector<400x512xf32>
    %max3A = arith.constant 0.000000e+00 : f32
    %max3A_117 = vector.broadcast %max3A : f32 to vector<400x512xf32>
    %max3A_118 = arith.maximumf %add3A_116, %max3A_117 : vector<400x512xf32>
    %get3A_119 = arith.constant 0 : index
    %get3A_120 = arith.constant 0 : index
    %get3A_121 = vector.load %arg5[%get3A_119, %get3A_120] : memref<1x512xf32, #tpu.memory_space<vmem>>, vector<1x512xf32>
    %dot_general3A_122 = arith.constant dense<0.000000e+00> : vector<1x400xf32>
    %dot_general3A_123 = tpu.matmul %get3A_121, %max3A_118, %dot_general3A_122 {dimension_numbers = #tpu.dot_dimension_numbers<[1], [1], [0], [0], [0, 0, 1, 0], [], []>, transpose_lhs_hint = false} : vector<1x512xf32>, vector<400x512xf32>, vector<1x400xf32> -> vector<1x400xf32>
    %get3A_124 = arith.constant 400 : index
    %get3A_125 = arith.constant 0 : index
    %get3A_126 = vector.load %arg0[%get3A_124, %get3A_125] : memref<2000x16xi32, #tpu.memory_space<vmem>>, vector<400x16xi32>
    %get3A_127 = arith.constant 400 : index
    %get3A_128 = arith.constant 0 : index
    %get3A_129 = vector.load %arg1[%get3A_127, %get3A_128] : memref<2000x10xf32, #tpu.memory_space<vmem>>, vector<400x10xf32>
    %broadcast_in_dim3A_130 = arith.constant 0.000000e+00 : f32
    %broadcast_in_dim3A_131 = vector.broadcast %broadcast_in_dim3A_130 : f32 to vector<400x37xf32>
    %slice3A_132 = vector.extract_strided_slice %get3A_126 {offsets = [0, 0], sizes = [400, 1], strides = [1, 1]} : vector<400x16xi32> to vector<400x1xi32>
    %eq3A_133 = vector.broadcast %slice3A_132 : vector<400x1xi32> to vector<400x37xi32>
    %eq3A_134 = arith.cmpi eq, %iota3A, %eq3A_133 : vector<400x37xi32>
    %slice3A_135 = vector.extract_strided_slice %get3A_129 {offsets = [0, 0], sizes = [400, 1], strides = [1, 1]} : vector<400x10xf32> to vector<400x1xf32>
    %jit3A_136 = arith.constant 0.000000e+00 : f32
    %broadcast_in_dim3A_137 = vector.shape_cast %slice3A_135 : vector<400x1xf32> to vector<400x1xf32>
    %broadcast_in_dim3A_138 = vector.broadcast %broadcast_in_dim3A_137 : vector<400x1xf32> to vector<400x37xf32>
    %broadcast_in_dim3A_139 = vector.broadcast %jit3A_136 : f32 to vector<400x37xf32>
    %select_n3A_140 = arith.select %eq3A_134, %broadcast_in_dim3A_138, %broadcast_in_dim3A_139 : vector<400x37xi1>, vector<400x37xf32>
    %add3A_141 = arith.addf %broadcast_in_dim3A_131, %select_n3A_140 : vector<400x37xf32>
    %slice3A_142 = vector.extract_strided_slice %get3A_126 {offsets = [0, 1], sizes = [400, 1], strides = [1, 1]} : vector<400x16xi32> to vector<400x1xi32>
    %eq3A_143 = vector.broadcast %slice3A_142 : vector<400x1xi32> to vector<400x37xi32>
    %eq3A_144 = arith.cmpi eq, %iota3A, %eq3A_143 : vector<400x37xi32>
    %slice3A_145 = vector.extract_strided_slice %get3A_129 {offsets = [0, 1], sizes = [400, 1], strides = [1, 1]} : vector<400x10xf32> to vector<400x1xf32>
    %jit3A_146 = arith.constant 0.000000e+00 : f32
    %broadcast_in_dim3A_147 = vector.shape_cast %slice3A_145 : vector<400x1xf32> to vector<400x1xf32>
    %broadcast_in_dim3A_148 = vector.broadcast %broadcast_in_dim3A_147 : vector<400x1xf32> to vector<400x37xf32>
    %broadcast_in_dim3A_149 = vector.broadcast %jit3A_146 : f32 to vector<400x37xf32>
    %select_n3A_150 = arith.select %eq3A_144, %broadcast_in_dim3A_148, %broadcast_in_dim3A_149 : vector<400x37xi1>, vector<400x37xf32>
    %add3A_151 = arith.addf %add3A_141, %select_n3A_150 : vector<400x37xf32>
    %slice3A_152 = vector.extract_strided_slice %get3A_126 {offsets = [0, 2], sizes = [400, 1], strides = [1, 1]} : vector<400x16xi32> to vector<400x1xi32>
    %eq3A_153 = vector.broadcast %slice3A_152 : vector<400x1xi32> to vector<400x37xi32>
    %eq3A_154 = arith.cmpi eq, %iota3A, %eq3A_153 : vector<400x37xi32>
    %slice3A_155 = vector.extract_strided_slice %get3A_129 {offsets = [0, 2], sizes = [400, 1], strides = [1, 1]} : vector<400x10xf32> to vector<400x1xf32>
    %jit3A_156 = arith.constant 0.000000e+00 : f32
    %broadcast_in_dim3A_157 = vector.shape_cast %slice3A_155 : vector<400x1xf32> to vector<400x1xf32>
    %broadcast_in_dim3A_158 = vector.broadcast %broadcast_in_dim3A_157 : vector<400x1xf32> to vector<400x37xf32>
    %broadcast_in_dim3A_159 = vector.broadcast %jit3A_156 : f32 to vector<400x37xf32>
    %select_n3A_160 = arith.select %eq3A_154, %broadcast_in_dim3A_158, %broadcast_in_dim3A_159 : vector<400x37xi1>, vector<400x37xf32>
    %add3A_161 = arith.addf %add3A_151, %select_n3A_160 : vector<400x37xf32>
    %slice3A_162 = vector.extract_strided_slice %get3A_126 {offsets = [0, 3], sizes = [400, 1], strides = [1, 1]} : vector<400x16xi32> to vector<400x1xi32>
    %eq3A_163 = vector.broadcast %slice3A_162 : vector<400x1xi32> to vector<400x37xi32>
    %eq3A_164 = arith.cmpi eq, %iota3A, %eq3A_163 : vector<400x37xi32>
    %slice3A_165 = vector.extract_strided_slice %get3A_129 {offsets = [0, 3], sizes = [400, 1], strides = [1, 1]} : vector<400x10xf32> to vector<400x1xf32>
    %jit3A_166 = arith.constant 0.000000e+00 : f32
    %broadcast_in_dim3A_167 = vector.shape_cast %slice3A_165 : vector<400x1xf32> to vector<400x1xf32>
    %broadcast_in_dim3A_168 = vector.broadcast %broadcast_in_dim3A_167 : vector<400x1xf32> to vector<400x37xf32>
    %broadcast_in_dim3A_169 = vector.broadcast %jit3A_166 : f32 to vector<400x37xf32>
    %select_n3A_170 = arith.select %eq3A_164, %broadcast_in_dim3A_168, %broadcast_in_dim3A_169 : vector<400x37xi1>, vector<400x37xf32>
    %add3A_171 = arith.addf %add3A_161, %select_n3A_170 : vector<400x37xf32>
    %slice3A_172 = vector.extract_strided_slice %get3A_126 {offsets = [0, 4], sizes = [400, 1], strides = [1, 1]} : vector<400x16xi32> to vector<400x1xi32>
    %eq3A_173 = vector.broadcast %slice3A_172 : vector<400x1xi32> to vector<400x37xi32>
    %eq3A_174 = arith.cmpi eq, %iota3A, %eq3A_173 : vector<400x37xi32>
    %slice3A_175 = vector.extract_strided_slice %get3A_129 {offsets = [0, 4], sizes = [400, 1], strides = [1, 1]} : vector<400x10xf32> to vector<400x1xf32>
    %jit3A_176 = arith.constant 0.000000e+00 : f32
    %broadcast_in_dim3A_177 = vector.shape_cast %slice3A_175 : vector<400x1xf32> to vector<400x1xf32>
    %broadcast_in_dim3A_178 = vector.broadcast %broadcast_in_dim3A_177 : vector<400x1xf32> to vector<400x37xf32>
    %broadcast_in_dim3A_179 = vector.broadcast %jit3A_176 : f32 to vector<400x37xf32>
    %select_n3A_180 = arith.select %eq3A_174, %broadcast_in_dim3A_178, %broadcast_in_dim3A_179 : vector<400x37xi1>, vector<400x37xf32>
    %add3A_181 = arith.addf %add3A_171, %select_n3A_180 : vector<400x37xf32>
    %slice3A_182 = vector.extract_strided_slice %get3A_126 {offsets = [0, 5], sizes = [400, 1], strides = [1, 1]} : vector<400x16xi32> to vector<400x1xi32>
    %eq3A_183 = vector.broadcast %slice3A_182 : vector<400x1xi32> to vector<400x37xi32>
    %eq3A_184 = arith.cmpi eq, %iota3A, %eq3A_183 : vector<400x37xi32>
    %slice3A_185 = vector.extract_strided_slice %get3A_129 {offsets = [0, 5], sizes = [400, 1], strides = [1, 1]} : vector<400x10xf32> to vector<400x1xf32>
    %jit3A_186 = arith.constant 0.000000e+00 : f32
    %broadcast_in_dim3A_187 = vector.shape_cast %slice3A_185 : vector<400x1xf32> to vector<400x1xf32>
    %broadcast_in_dim3A_188 = vector.broadcast %broadcast_in_dim3A_187 : vector<400x1xf32> to vector<400x37xf32>
    %broadcast_in_dim3A_189 = vector.broadcast %jit3A_186 : f32 to vector<400x37xf32>
    %select_n3A_190 = arith.select %eq3A_184, %broadcast_in_dim3A_188, %broadcast_in_dim3A_189 : vector<400x37xi1>, vector<400x37xf32>
    %add3A_191 = arith.addf %add3A_181, %select_n3A_190 : vector<400x37xf32>
    %slice3A_192 = vector.extract_strided_slice %get3A_126 {offsets = [0, 6], sizes = [400, 1], strides = [1, 1]} : vector<400x16xi32> to vector<400x1xi32>
    %eq3A_193 = vector.broadcast %slice3A_192 : vector<400x1xi32> to vector<400x37xi32>
    %eq3A_194 = arith.cmpi eq, %iota3A, %eq3A_193 : vector<400x37xi32>
    %slice3A_195 = vector.extract_strided_slice %get3A_129 {offsets = [0, 6], sizes = [400, 1], strides = [1, 1]} : vector<400x10xf32> to vector<400x1xf32>
    %jit3A_196 = arith.constant 0.000000e+00 : f32
    %broadcast_in_dim3A_197 = vector.shape_cast %slice3A_195 : vector<400x1xf32> to vector<400x1xf32>
    %broadcast_in_dim3A_198 = vector.broadcast %broadcast_in_dim3A_197 : vector<400x1xf32> to vector<400x37xf32>
    %broadcast_in_dim3A_199 = vector.broadcast %jit3A_196 : f32 to vector<400x37xf32>
    %select_n3A_200 = arith.select %eq3A_194, %broadcast_in_dim3A_198, %broadcast_in_dim3A_199 : vector<400x37xi1>, vector<400x37xf32>
    %add3A_201 = arith.addf %add3A_191, %select_n3A_200 : vector<400x37xf32>
    %slice3A_202 = vector.extract_strided_slice %get3A_126 {offsets = [0, 7], sizes = [400, 1], strides = [1, 1]} : vector<400x16xi32> to vector<400x1xi32>
    %eq3A_203 = vector.broadcast %slice3A_202 : vector<400x1xi32> to vector<400x37xi32>
    %eq3A_204 = arith.cmpi eq, %iota3A, %eq3A_203 : vector<400x37xi32>
    %slice3A_205 = vector.extract_strided_slice %get3A_129 {offsets = [0, 7], sizes = [400, 1], strides = [1, 1]} : vector<400x10xf32> to vector<400x1xf32>
    %jit3A_206 = arith.constant 0.000000e+00 : f32
    %broadcast_in_dim3A_207 = vector.shape_cast %slice3A_205 : vector<400x1xf32> to vector<400x1xf32>
    %broadcast_in_dim3A_208 = vector.broadcast %broadcast_in_dim3A_207 : vector<400x1xf32> to vector<400x37xf32>
    %broadcast_in_dim3A_209 = vector.broadcast %jit3A_206 : f32 to vector<400x37xf32>
    %select_n3A_210 = arith.select %eq3A_204, %broadcast_in_dim3A_208, %broadcast_in_dim3A_209 : vector<400x37xi1>, vector<400x37xf32>
    %add3A_211 = arith.addf %add3A_201, %select_n3A_210 : vector<400x37xf32>
    %slice3A_212 = vector.extract_strided_slice %get3A_126 {offsets = [0, 8], sizes = [400, 1], strides = [1, 1]} : vector<400x16xi32> to vector<400x1xi32>
    %eq3A_213 = vector.broadcast %slice3A_212 : vector<400x1xi32> to vector<400x37xi32>
    %eq3A_214 = arith.cmpi eq, %iota3A, %eq3A_213 : vector<400x37xi32>
    %slice3A_215 = vector.extract_strided_slice %get3A_129 {offsets = [0, 8], sizes = [400, 1], strides = [1, 1]} : vector<400x10xf32> to vector<400x1xf32>
    %jit3A_216 = arith.constant 0.000000e+00 : f32
    %broadcast_in_dim3A_217 = vector.shape_cast %slice3A_215 : vector<400x1xf32> to vector<400x1xf32>
    %broadcast_in_dim3A_218 = vector.broadcast %broadcast_in_dim3A_217 : vector<400x1xf32> to vector<400x37xf32>
    %broadcast_in_dim3A_219 = vector.broadcast %jit3A_216 : f32 to vector<400x37xf32>
    %select_n3A_220 = arith.select %eq3A_214, %broadcast_in_dim3A_218, %broadcast_in_dim3A_219 : vector<400x37xi1>, vector<400x37xf32>
    %add3A_221 = arith.addf %add3A_211, %select_n3A_220 : vector<400x37xf32>
    %slice3A_222 = vector.extract_strided_slice %get3A_126 {offsets = [0, 9], sizes = [400, 1], strides = [1, 1]} : vector<400x16xi32> to vector<400x1xi32>
    %eq3A_223 = vector.broadcast %slice3A_222 : vector<400x1xi32> to vector<400x37xi32>
    %eq3A_224 = arith.cmpi eq, %iota3A, %eq3A_223 : vector<400x37xi32>
    %slice3A_225 = vector.extract_strided_slice %get3A_129 {offsets = [0, 9], sizes = [400, 1], strides = [1, 1]} : vector<400x10xf32> to vector<400x1xf32>
    %jit3A_226 = arith.constant 0.000000e+00 : f32
    %broadcast_in_dim3A_227 = vector.shape_cast %slice3A_225 : vector<400x1xf32> to vector<400x1xf32>
    %broadcast_in_dim3A_228 = vector.broadcast %broadcast_in_dim3A_227 : vector<400x1xf32> to vector<400x37xf32>
    %broadcast_in_dim3A_229 = vector.broadcast %jit3A_226 : f32 to vector<400x37xf32>
    %select_n3A_230 = arith.select %eq3A_224, %broadcast_in_dim3A_228, %broadcast_in_dim3A_229 : vector<400x37xi1>, vector<400x37xf32>
    %add3A_231 = arith.addf %add3A_221, %select_n3A_230 : vector<400x37xf32>
    %get3A_232 = arith.constant 1 : index
    %get3A_233 = arith.constant 0 : index
    %get3A_234 = arith.constant 0 : index
    %get3A_235 = vector.load %arg2[%get3A_232, %get3A_233, %get3A_234] : memref<5x37x2048xf32, #tpu.memory_space<vmem>>, vector<1x37x2048xf32>
    %get3A_236 = vector.shape_cast %get3A_235 : vector<1x37x2048xf32> to vector<37x2048xf32>
    %get3A_237 = arith.constant 0 : index
    %get3A_238 = arith.constant 0 : index
    %get3A_239 = vector.load %arg3[%get3A_237, %get3A_238] : memref<512x2048xf32, #tpu.memory_space<vmem>>, vector<512x2048xf32>
    %dot_general3A_240 = arith.constant dense<0.000000e+00> : vector<37x512xf32>
    %dot_general3A_241 = tpu.matmul %get3A_236, %get3A_239, %dot_general3A_240 {dimension_numbers = #tpu.dot_dimension_numbers<[1], [1], [0], [0], [0, 0, 1, 0], [], []>, transpose_lhs_hint = false} : vector<37x2048xf32>, vector<512x2048xf32>, vector<37x512xf32> -> vector<37x512xf32>
    %dot_general3A_242 = arith.constant dense<0.000000e+00> : vector<400x512xf32>
    %dot_general3A_243 = tpu.matmul %add3A_231, %dot_general3A_241, %dot_general3A_242 {dimension_numbers = #tpu.dot_dimension_numbers<[1], [0], [0], [1], [0, 0, 1, 1], [], []>, transpose_lhs_hint = false} : vector<400x37xf32>, vector<37x512xf32>, vector<400x512xf32> -> vector<400x512xf32>
    %get3A_244 = arith.constant 0 : index
    %get3A_245 = arith.constant 0 : index
    %get3A_246 = vector.load %arg4[%get3A_244, %get3A_245] : memref<1x512xf32, #tpu.memory_space<vmem>>, vector<1x512xf32>
    %add3A_247 = vector.broadcast %get3A_246 : vector<1x512xf32> to vector<400x512xf32>
    %add3A_248 = arith.addf %dot_general3A_243, %add3A_247 : vector<400x512xf32>
    %max3A_249 = arith.constant 0.000000e+00 : f32
    %max3A_250 = vector.broadcast %max3A_249 : f32 to vector<400x512xf32>
    %max3A_251 = arith.maximumf %add3A_248, %max3A_250 : vector<400x512xf32>
    %get3A_252 = arith.constant 0 : index
    %get3A_253 = arith.constant 0 : index
    %get3A_254 = vector.load %arg5[%get3A_252, %get3A_253] : memref<1x512xf32, #tpu.memory_space<vmem>>, vector<1x512xf32>
    %dot_general3A_255 = arith.constant dense<0.000000e+00> : vector<1x400xf32>
    %dot_general3A_256 = tpu.matmul %get3A_254, %max3A_251, %dot_general3A_255 {dimension_numbers = #tpu.dot_dimension_numbers<[1], [1], [0], [0], [0, 0, 1, 0], [], []>, transpose_lhs_hint = false} : vector<1x512xf32>, vector<400x512xf32>, vector<1x400xf32> -> vector<1x400xf32>
    %get3A_257 = arith.constant 800 : index
    %get3A_258 = arith.constant 0 : index
    %get3A_259 = vector.load %arg0[%get3A_257, %get3A_258] : memref<2000x16xi32, #tpu.memory_space<vmem>>, vector<400x16xi32>
    %get3A_260 = arith.constant 800 : index
    %get3A_261 = arith.constant 0 : index
    %get3A_262 = vector.load %arg1[%get3A_260, %get3A_261] : memref<2000x10xf32, #tpu.memory_space<vmem>>, vector<400x10xf32>
    %broadcast_in_dim3A_263 = arith.constant 0.000000e+00 : f32
    %broadcast_in_dim3A_264 = vector.broadcast %broadcast_in_dim3A_263 : f32 to vector<400x37xf32>
    %slice3A_265 = vector.extract_strided_slice %get3A_259 {offsets = [0, 0], sizes = [400, 1], strides = [1, 1]} : vector<400x16xi32> to vector<400x1xi32>
    %eq3A_266 = vector.broadcast %slice3A_265 : vector<400x1xi32> to vector<400x37xi32>
    %eq3A_267 = arith.cmpi eq, %iota3A, %eq3A_266 : vector<400x37xi32>
    %slice3A_268 = vector.extract_strided_slice %get3A_262 {offsets = [0, 0], sizes = [400, 1], strides = [1, 1]} : vector<400x10xf32> to vector<400x1xf32>
    %jit3A_269 = arith.constant 0.000000e+00 : f32
    %broadcast_in_dim3A_270 = vector.shape_cast %slice3A_268 : vector<400x1xf32> to vector<400x1xf32>
    %broadcast_in_dim3A_271 = vector.broadcast %broadcast_in_dim3A_270 : vector<400x1xf32> to vector<400x37xf32>
    %broadcast_in_dim3A_272 = vector.broadcast %jit3A_269 : f32 to vector<400x37xf32>
    %select_n3A_273 = arith.select %eq3A_267, %broadcast_in_dim3A_271, %broadcast_in_dim3A_272 : vector<400x37xi1>, vector<400x37xf32>
    %add3A_274 = arith.addf %broadcast_in_dim3A_264, %select_n3A_273 : vector<400x37xf32>
    %slice3A_275 = vector.extract_strided_slice %get3A_259 {offsets = [0, 1], sizes = [400, 1], strides = [1, 1]} : vector<400x16xi32> to vector<400x1xi32>
    %eq3A_276 = vector.broadcast %slice3A_275 : vector<400x1xi32> to vector<400x37xi32>
    %eq3A_277 = arith.cmpi eq, %iota3A, %eq3A_276 : vector<400x37xi32>
    %slice3A_278 = vector.extract_strided_slice %get3A_262 {offsets = [0, 1], sizes = [400, 1], strides = [1, 1]} : vector<400x10xf32> to vector<400x1xf32>
    %jit3A_279 = arith.constant 0.000000e+00 : f32
    %broadcast_in_dim3A_280 = vector.shape_cast %slice3A_278 : vector<400x1xf32> to vector<400x1xf32>
    %broadcast_in_dim3A_281 = vector.broadcast %broadcast_in_dim3A_280 : vector<400x1xf32> to vector<400x37xf32>
    %broadcast_in_dim3A_282 = vector.broadcast %jit3A_279 : f32 to vector<400x37xf32>
    %select_n3A_283 = arith.select %eq3A_277, %broadcast_in_dim3A_281, %broadcast_in_dim3A_282 : vector<400x37xi1>, vector<400x37xf32>
    %add3A_284 = arith.addf %add3A_274, %select_n3A_283 : vector<400x37xf32>
    %slice3A_285 = vector.extract_strided_slice %get3A_259 {offsets = [0, 2], sizes = [400, 1], strides = [1, 1]} : vector<400x16xi32> to vector<400x1xi32>
    %eq3A_286 = vector.broadcast %slice3A_285 : vector<400x1xi32> to vector<400x37xi32>
    %eq3A_287 = arith.cmpi eq, %iota3A, %eq3A_286 : vector<400x37xi32>
    %slice3A_288 = vector.extract_strided_slice %get3A_262 {offsets = [0, 2], sizes = [400, 1], strides = [1, 1]} : vector<400x10xf32> to vector<400x1xf32>
    %jit3A_289 = arith.constant 0.000000e+00 : f32
    %broadcast_in_dim3A_290 = vector.shape_cast %slice3A_288 : vector<400x1xf32> to vector<400x1xf32>
    %broadcast_in_dim3A_291 = vector.broadcast %broadcast_in_dim3A_290 : vector<400x1xf32> to vector<400x37xf32>
    %broadcast_in_dim3A_292 = vector.broadcast %jit3A_289 : f32 to vector<400x37xf32>
    %select_n3A_293 = arith.select %eq3A_287, %broadcast_in_dim3A_291, %broadcast_in_dim3A_292 : vector<400x37xi1>, vector<400x37xf32>
    %add3A_294 = arith.addf %add3A_284, %select_n3A_293 : vector<400x37xf32>
    %slice3A_295 = vector.extract_strided_slice %get3A_259 {offsets = [0, 3], sizes = [400, 1], strides = [1, 1]} : vector<400x16xi32> to vector<400x1xi32>
    %eq3A_296 = vector.broadcast %slice3A_295 : vector<400x1xi32> to vector<400x37xi32>
    %eq3A_297 = arith.cmpi eq, %iota3A, %eq3A_296 : vector<400x37xi32>
    %slice3A_298 = vector.extract_strided_slice %get3A_262 {offsets = [0, 3], sizes = [400, 1], strides = [1, 1]} : vector<400x10xf32> to vector<400x1xf32>
    %jit3A_299 = arith.constant 0.000000e+00 : f32
    %broadcast_in_dim3A_300 = vector.shape_cast %slice3A_298 : vector<400x1xf32> to vector<400x1xf32>
    %broadcast_in_dim3A_301 = vector.broadcast %broadcast_in_dim3A_300 : vector<400x1xf32> to vector<400x37xf32>
    %broadcast_in_dim3A_302 = vector.broadcast %jit3A_299 : f32 to vector<400x37xf32>
    %select_n3A_303 = arith.select %eq3A_297, %broadcast_in_dim3A_301, %broadcast_in_dim3A_302 : vector<400x37xi1>, vector<400x37xf32>
    %add3A_304 = arith.addf %add3A_294, %select_n3A_303 : vector<400x37xf32>
    %slice3A_305 = vector.extract_strided_slice %get3A_259 {offsets = [0, 4], sizes = [400, 1], strides = [1, 1]} : vector<400x16xi32> to vector<400x1xi32>
    %eq3A_306 = vector.broadcast %slice3A_305 : vector<400x1xi32> to vector<400x37xi32>
    %eq3A_307 = arith.cmpi eq, %iota3A, %eq3A_306 : vector<400x37xi32>
    %slice3A_308 = vector.extract_strided_slice %get3A_262 {offsets = [0, 4], sizes = [400, 1], strides = [1, 1]} : vector<400x10xf32> to vector<400x1xf32>
    %jit3A_309 = arith.constant 0.000000e+00 : f32
    %broadcast_in_dim3A_310 = vector.shape_cast %slice3A_308 : vector<400x1xf32> to vector<400x1xf32>
    %broadcast_in_dim3A_311 = vector.broadcast %broadcast_in_dim3A_310 : vector<400x1xf32> to vector<400x37xf32>
    %broadcast_in_dim3A_312 = vector.broadcast %jit3A_309 : f32 to vector<400x37xf32>
    %select_n3A_313 = arith.select %eq3A_307, %broadcast_in_dim3A_311, %broadcast_in_dim3A_312 : vector<400x37xi1>, vector<400x37xf32>
    %add3A_314 = arith.addf %add3A_304, %select_n3A_313 : vector<400x37xf32>
    %slice3A_315 = vector.extract_strided_slice %get3A_259 {offsets = [0, 5], sizes = [400, 1], strides = [1, 1]} : vector<400x16xi32> to vector<400x1xi32>
    %eq3A_316 = vector.broadcast %slice3A_315 : vector<400x1xi32> to vector<400x37xi32>
    %eq3A_317 = arith.cmpi eq, %iota3A, %eq3A_316 : vector<400x37xi32>
    %slice3A_318 = vector.extract_strided_slice %get3A_262 {offsets = [0, 5], sizes = [400, 1], strides = [1, 1]} : vector<400x10xf32> to vector<400x1xf32>
    %jit3A_319 = arith.constant 0.000000e+00 : f32
    %broadcast_in_dim3A_320 = vector.shape_cast %slice3A_318 : vector<400x1xf32> to vector<400x1xf32>
    %broadcast_in_dim3A_321 = vector.broadcast %broadcast_in_dim3A_320 : vector<400x1xf32> to vector<400x37xf32>
    %broadcast_in_dim3A_322 = vector.broadcast %jit3A_319 : f32 to vector<400x37xf32>
    %select_n3A_323 = arith.select %eq3A_317, %broadcast_in_dim3A_321, %broadcast_in_dim3A_322 : vector<400x37xi1>, vector<400x37xf32>
    %add3A_324 = arith.addf %add3A_314, %select_n3A_323 : vector<400x37xf32>
    %slice3A_325 = vector.extract_strided_slice %get3A_259 {offsets = [0, 6], sizes = [400, 1], strides = [1, 1]} : vector<400x16xi32> to vector<400x1xi32>
    %eq3A_326 = vector.broadcast %slice3A_325 : vector<400x1xi32> to vector<400x37xi32>
    %eq3A_327 = arith.cmpi eq, %iota3A, %eq3A_326 : vector<400x37xi32>
    %slice3A_328 = vector.extract_strided_slice %get3A_262 {offsets = [0, 6], sizes = [400, 1], strides = [1, 1]} : vector<400x10xf32> to vector<400x1xf32>
    %jit3A_329 = arith.constant 0.000000e+00 : f32
    %broadcast_in_dim3A_330 = vector.shape_cast %slice3A_328 : vector<400x1xf32> to vector<400x1xf32>
    %broadcast_in_dim3A_331 = vector.broadcast %broadcast_in_dim3A_330 : vector<400x1xf32> to vector<400x37xf32>
    %broadcast_in_dim3A_332 = vector.broadcast %jit3A_329 : f32 to vector<400x37xf32>
    %select_n3A_333 = arith.select %eq3A_327, %broadcast_in_dim3A_331, %broadcast_in_dim3A_332 : vector<400x37xi1>, vector<400x37xf32>
    %add3A_334 = arith.addf %add3A_324, %select_n3A_333 : vector<400x37xf32>
    %slice3A_335 = vector.extract_strided_slice %get3A_259 {offsets = [0, 7], sizes = [400, 1], strides = [1, 1]} : vector<400x16xi32> to vector<400x1xi32>
    %eq3A_336 = vector.broadcast %slice3A_335 : vector<400x1xi32> to vector<400x37xi32>
    %eq3A_337 = arith.cmpi eq, %iota3A, %eq3A_336 : vector<400x37xi32>
    %slice3A_338 = vector.extract_strided_slice %get3A_262 {offsets = [0, 7], sizes = [400, 1], strides = [1, 1]} : vector<400x10xf32> to vector<400x1xf32>
    %jit3A_339 = arith.constant 0.000000e+00 : f32
    %broadcast_in_dim3A_340 = vector.shape_cast %slice3A_338 : vector<400x1xf32> to vector<400x1xf32>
    %broadcast_in_dim3A_341 = vector.broadcast %broadcast_in_dim3A_340 : vector<400x1xf32> to vector<400x37xf32>
    %broadcast_in_dim3A_342 = vector.broadcast %jit3A_339 : f32 to vector<400x37xf32>
    %select_n3A_343 = arith.select %eq3A_337, %broadcast_in_dim3A_341, %broadcast_in_dim3A_342 : vector<400x37xi1>, vector<400x37xf32>
    %add3A_344 = arith.addf %add3A_334, %select_n3A_343 : vector<400x37xf32>
    %slice3A_345 = vector.extract_strided_slice %get3A_259 {offsets = [0, 8], sizes = [400, 1], strides = [1, 1]} : vector<400x16xi32> to vector<400x1xi32>
    %eq3A_346 = vector.broadcast %slice3A_345 : vector<400x1xi32> to vector<400x37xi32>
    %eq3A_347 = arith.cmpi eq, %iota3A, %eq3A_346 : vector<400x37xi32>
    %slice3A_348 = vector.extract_strided_slice %get3A_262 {offsets = [0, 8], sizes = [400, 1], strides = [1, 1]} : vector<400x10xf32> to vector<400x1xf32>
    %jit3A_349 = arith.constant 0.000000e+00 : f32
    %broadcast_in_dim3A_350 = vector.shape_cast %slice3A_348 : vector<400x1xf32> to vector<400x1xf32>
    %broadcast_in_dim3A_351 = vector.broadcast %broadcast_in_dim3A_350 : vector<400x1xf32> to vector<400x37xf32>
    %broadcast_in_dim3A_352 = vector.broadcast %jit3A_349 : f32 to vector<400x37xf32>
    %select_n3A_353 = arith.select %eq3A_347, %broadcast_in_dim3A_351, %broadcast_in_dim3A_352 : vector<400x37xi1>, vector<400x37xf32>
    %add3A_354 = arith.addf %add3A_344, %select_n3A_353 : vector<400x37xf32>
    %slice3A_355 = vector.extract_strided_slice %get3A_259 {offsets = [0, 9], sizes = [400, 1], strides = [1, 1]} : vector<400x16xi32> to vector<400x1xi32>
    %eq3A_356 = vector.broadcast %slice3A_355 : vector<400x1xi32> to vector<400x37xi32>
    %eq3A_357 = arith.cmpi eq, %iota3A, %eq3A_356 : vector<400x37xi32>
    %slice3A_358 = vector.extract_strided_slice %get3A_262 {offsets = [0, 9], sizes = [400, 1], strides = [1, 1]} : vector<400x10xf32> to vector<400x1xf32>
    %jit3A_359 = arith.constant 0.000000e+00 : f32
    %broadcast_in_dim3A_360 = vector.shape_cast %slice3A_358 : vector<400x1xf32> to vector<400x1xf32>
    %broadcast_in_dim3A_361 = vector.broadcast %broadcast_in_dim3A_360 : vector<400x1xf32> to vector<400x37xf32>
    %broadcast_in_dim3A_362 = vector.broadcast %jit3A_359 : f32 to vector<400x37xf32>
    %select_n3A_363 = arith.select %eq3A_357, %broadcast_in_dim3A_361, %broadcast_in_dim3A_362 : vector<400x37xi1>, vector<400x37xf32>
    %add3A_364 = arith.addf %add3A_354, %select_n3A_363 : vector<400x37xf32>
    %get3A_365 = arith.constant 2 : index
    %get3A_366 = arith.constant 0 : index
    %get3A_367 = arith.constant 0 : index
    %get3A_368 = vector.load %arg2[%get3A_365, %get3A_366, %get3A_367] : memref<5x37x2048xf32, #tpu.memory_space<vmem>>, vector<1x37x2048xf32>
    %get3A_369 = vector.shape_cast %get3A_368 : vector<1x37x2048xf32> to vector<37x2048xf32>
    %get3A_370 = arith.constant 0 : index
    %get3A_371 = arith.constant 0 : index
    %get3A_372 = vector.load %arg3[%get3A_370, %get3A_371] : memref<512x2048xf32, #tpu.memory_space<vmem>>, vector<512x2048xf32>
    %dot_general3A_373 = arith.constant dense<0.000000e+00> : vector<37x512xf32>
    %dot_general3A_374 = tpu.matmul %get3A_369, %get3A_372, %dot_general3A_373 {dimension_numbers = #tpu.dot_dimension_numbers<[1], [1], [0], [0], [0, 0, 1, 0], [], []>, transpose_lhs_hint = false} : vector<37x2048xf32>, vector<512x2048xf32>, vector<37x512xf32> -> vector<37x512xf32>
    %dot_general3A_375 = arith.constant dense<0.000000e+00> : vector<400x512xf32>
    %dot_general3A_376 = tpu.matmul %add3A_364, %dot_general3A_374, %dot_general3A_375 {dimension_numbers = #tpu.dot_dimension_numbers<[1], [0], [0], [1], [0, 0, 1, 1], [], []>, transpose_lhs_hint = false} : vector<400x37xf32>, vector<37x512xf32>, vector<400x512xf32> -> vector<400x512xf32>
    %get3A_377 = arith.constant 0 : index
    %get3A_378 = arith.constant 0 : index
    %get3A_379 = vector.load %arg4[%get3A_377, %get3A_378] : memref<1x512xf32, #tpu.memory_space<vmem>>, vector<1x512xf32>
    %add3A_380 = vector.broadcast %get3A_379 : vector<1x512xf32> to vector<400x512xf32>
    %add3A_381 = arith.addf %dot_general3A_376, %add3A_380 : vector<400x512xf32>
    %max3A_382 = arith.constant 0.000000e+00 : f32
    %max3A_383 = vector.broadcast %max3A_382 : f32 to vector<400x512xf32>
    %max3A_384 = arith.maximumf %add3A_381, %max3A_383 : vector<400x512xf32>
    %get3A_385 = arith.constant 0 : index
    %get3A_386 = arith.constant 0 : index
    %get3A_387 = vector.load %arg5[%get3A_385, %get3A_386] : memref<1x512xf32, #tpu.memory_space<vmem>>, vector<1x512xf32>
    %dot_general3A_388 = arith.constant dense<0.000000e+00> : vector<1x400xf32>
    %dot_general3A_389 = tpu.matmul %get3A_387, %max3A_384, %dot_general3A_388 {dimension_numbers = #tpu.dot_dimension_numbers<[1], [1], [0], [0], [0, 0, 1, 0], [], []>, transpose_lhs_hint = false} : vector<1x512xf32>, vector<400x512xf32>, vector<1x400xf32> -> vector<1x400xf32>
    %get3A_390 = arith.constant 1200 : index
    %get3A_391 = arith.constant 0 : index
    %get3A_392 = vector.load %arg0[%get3A_390, %get3A_391] : memref<2000x16xi32, #tpu.memory_space<vmem>>, vector<400x16xi32>
    %get3A_393 = arith.constant 1200 : index
    %get3A_394 = arith.constant 0 : index
    %get3A_395 = vector.load %arg1[%get3A_393, %get3A_394] : memref<2000x10xf32, #tpu.memory_space<vmem>>, vector<400x10xf32>
    %broadcast_in_dim3A_396 = arith.constant 0.000000e+00 : f32
    %broadcast_in_dim3A_397 = vector.broadcast %broadcast_in_dim3A_396 : f32 to vector<400x37xf32>
    %slice3A_398 = vector.extract_strided_slice %get3A_392 {offsets = [0, 0], sizes = [400, 1], strides = [1, 1]} : vector<400x16xi32> to vector<400x1xi32>
    %eq3A_399 = vector.broadcast %slice3A_398 : vector<400x1xi32> to vector<400x37xi32>
    %eq3A_400 = arith.cmpi eq, %iota3A, %eq3A_399 : vector<400x37xi32>
    %slice3A_401 = vector.extract_strided_slice %get3A_395 {offsets = [0, 0], sizes = [400, 1], strides = [1, 1]} : vector<400x10xf32> to vector<400x1xf32>
    %jit3A_402 = arith.constant 0.000000e+00 : f32
    %broadcast_in_dim3A_403 = vector.shape_cast %slice3A_401 : vector<400x1xf32> to vector<400x1xf32>
    %broadcast_in_dim3A_404 = vector.broadcast %broadcast_in_dim3A_403 : vector<400x1xf32> to vector<400x37xf32>
    %broadcast_in_dim3A_405 = vector.broadcast %jit3A_402 : f32 to vector<400x37xf32>
    %select_n3A_406 = arith.select %eq3A_400, %broadcast_in_dim3A_404, %broadcast_in_dim3A_405 : vector<400x37xi1>, vector<400x37xf32>
    %add3A_407 = arith.addf %broadcast_in_dim3A_397, %select_n3A_406 : vector<400x37xf32>
    %slice3A_408 = vector.extract_strided_slice %get3A_392 {offsets = [0, 1], sizes = [400, 1], strides = [1, 1]} : vector<400x16xi32> to vector<400x1xi32>
    %eq3A_409 = vector.broadcast %slice3A_408 : vector<400x1xi32> to vector<400x37xi32>
    %eq3A_410 = arith.cmpi eq, %iota3A, %eq3A_409 : vector<400x37xi32>
    %slice3A_411 = vector.extract_strided_slice %get3A_395 {offsets = [0, 1], sizes = [400, 1], strides = [1, 1]} : vector<400x10xf32> to vector<400x1xf32>
    %jit3A_412 = arith.constant 0.000000e+00 : f32
    %broadcast_in_dim3A_413 = vector.shape_cast %slice3A_411 : vector<400x1xf32> to vector<400x1xf32>
    %broadcast_in_dim3A_414 = vector.broadcast %broadcast_in_dim3A_413 : vector<400x1xf32> to vector<400x37xf32>
    %broadcast_in_dim3A_415 = vector.broadcast %jit3A_412 : f32 to vector<400x37xf32>
    %select_n3A_416 = arith.select %eq3A_410, %broadcast_in_dim3A_414, %broadcast_in_dim3A_415 : vector<400x37xi1>, vector<400x37xf32>
    %add3A_417 = arith.addf %add3A_407, %select_n3A_416 : vector<400x37xf32>
    %slice3A_418 = vector.extract_strided_slice %get3A_392 {offsets = [0, 2], sizes = [400, 1], strides = [1, 1]} : vector<400x16xi32> to vector<400x1xi32>
    %eq3A_419 = vector.broadcast %slice3A_418 : vector<400x1xi32> to vector<400x37xi32>
    %eq3A_420 = arith.cmpi eq, %iota3A, %eq3A_419 : vector<400x37xi32>
    %slice3A_421 = vector.extract_strided_slice %get3A_395 {offsets = [0, 2], sizes = [400, 1], strides = [1, 1]} : vector<400x10xf32> to vector<400x1xf32>
    %jit3A_422 = arith.constant 0.000000e+00 : f32
    %broadcast_in_dim3A_423 = vector.shape_cast %slice3A_421 : vector<400x1xf32> to vector<400x1xf32>
    %broadcast_in_dim3A_424 = vector.broadcast %broadcast_in_dim3A_423 : vector<400x1xf32> to vector<400x37xf32>
    %broadcast_in_dim3A_425 = vector.broadcast %jit3A_422 : f32 to vector<400x37xf32>
    %select_n3A_426 = arith.select %eq3A_420, %broadcast_in_dim3A_424, %broadcast_in_dim3A_425 : vector<400x37xi1>, vector<400x37xf32>
    %add3A_427 = arith.addf %add3A_417, %select_n3A_426 : vector<400x37xf32>
    %slice3A_428 = vector.extract_strided_slice %get3A_392 {offsets = [0, 3], sizes = [400, 1], strides = [1, 1]} : vector<400x16xi32> to vector<400x1xi32>
    %eq3A_429 = vector.broadcast %slice3A_428 : vector<400x1xi32> to vector<400x37xi32>
    %eq3A_430 = arith.cmpi eq, %iota3A, %eq3A_429 : vector<400x37xi32>
    %slice3A_431 = vector.extract_strided_slice %get3A_395 {offsets = [0, 3], sizes = [400, 1], strides = [1, 1]} : vector<400x10xf32> to vector<400x1xf32>
    %jit3A_432 = arith.constant 0.000000e+00 : f32
    %broadcast_in_dim3A_433 = vector.shape_cast %slice3A_431 : vector<400x1xf32> to vector<400x1xf32>
    %broadcast_in_dim3A_434 = vector.broadcast %broadcast_in_dim3A_433 : vector<400x1xf32> to vector<400x37xf32>
    %broadcast_in_dim3A_435 = vector.broadcast %jit3A_432 : f32 to vector<400x37xf32>
    %select_n3A_436 = arith.select %eq3A_430, %broadcast_in_dim3A_434, %broadcast_in_dim3A_435 : vector<400x37xi1>, vector<400x37xf32>
    %add3A_437 = arith.addf %add3A_427, %select_n3A_436 : vector<400x37xf32>
    %slice3A_438 = vector.extract_strided_slice %get3A_392 {offsets = [0, 4], sizes = [400, 1], strides = [1, 1]} : vector<400x16xi32> to vector<400x1xi32>
    %eq3A_439 = vector.broadcast %slice3A_438 : vector<400x1xi32> to vector<400x37xi32>
    %eq3A_440 = arith.cmpi eq, %iota3A, %eq3A_439 : vector<400x37xi32>
    %slice3A_441 = vector.extract_strided_slice %get3A_395 {offsets = [0, 4], sizes = [400, 1], strides = [1, 1]} : vector<400x10xf32> to vector<400x1xf32>
    %jit3A_442 = arith.constant 0.000000e+00 : f32
    %broadcast_in_dim3A_443 = vector.shape_cast %slice3A_441 : vector<400x1xf32> to vector<400x1xf32>
    %broadcast_in_dim3A_444 = vector.broadcast %broadcast_in_dim3A_443 : vector<400x1xf32> to vector<400x37xf32>
    %broadcast_in_dim3A_445 = vector.broadcast %jit3A_442 : f32 to vector<400x37xf32>
    %select_n3A_446 = arith.select %eq3A_440, %broadcast_in_dim3A_444, %broadcast_in_dim3A_445 : vector<400x37xi1>, vector<400x37xf32>
    %add3A_447 = arith.addf %add3A_437, %select_n3A_446 : vector<400x37xf32>
    %slice3A_448 = vector.extract_strided_slice %get3A_392 {offsets = [0, 5], sizes = [400, 1], strides = [1, 1]} : vector<400x16xi32> to vector<400x1xi32>
    %eq3A_449 = vector.broadcast %slice3A_448 : vector<400x1xi32> to vector<400x37xi32>
    %eq3A_450 = arith.cmpi eq, %iota3A, %eq3A_449 : vector<400x37xi32>
    %slice3A_451 = vector.extract_strided_slice %get3A_395 {offsets = [0, 5], sizes = [400, 1], strides = [1, 1]} : vector<400x10xf32> to vector<400x1xf32>
    %jit3A_452 = arith.constant 0.000000e+00 : f32
    %broadcast_in_dim3A_453 = vector.shape_cast %slice3A_451 : vector<400x1xf32> to vector<400x1xf32>
    %broadcast_in_dim3A_454 = vector.broadcast %broadcast_in_dim3A_453 : vector<400x1xf32> to vector<400x37xf32>
    %broadcast_in_dim3A_455 = vector.broadcast %jit3A_452 : f32 to vector<400x37xf32>
    %select_n3A_456 = arith.select %eq3A_450, %broadcast_in_dim3A_454, %broadcast_in_dim3A_455 : vector<400x37xi1>, vector<400x37xf32>
    %add3A_457 = arith.addf %add3A_447, %select_n3A_456 : vector<400x37xf32>
    %slice3A_458 = vector.extract_strided_slice %get3A_392 {offsets = [0, 6], sizes = [400, 1], strides = [1, 1]} : vector<400x16xi32> to vector<400x1xi32>
    %eq3A_459 = vector.broadcast %slice3A_458 : vector<400x1xi32> to vector<400x37xi32>
    %eq3A_460 = arith.cmpi eq, %iota3A, %eq3A_459 : vector<400x37xi32>
    %slice3A_461 = vector.extract_strided_slice %get3A_395 {offsets = [0, 6], sizes = [400, 1], strides = [1, 1]} : vector<400x10xf32> to vector<400x1xf32>
    %jit3A_462 = arith.constant 0.000000e+00 : f32
    %broadcast_in_dim3A_463 = vector.shape_cast %slice3A_461 : vector<400x1xf32> to vector<400x1xf32>
    %broadcast_in_dim3A_464 = vector.broadcast %broadcast_in_dim3A_463 : vector<400x1xf32> to vector<400x37xf32>
    %broadcast_in_dim3A_465 = vector.broadcast %jit3A_462 : f32 to vector<400x37xf32>
    %select_n3A_466 = arith.select %eq3A_460, %broadcast_in_dim3A_464, %broadcast_in_dim3A_465 : vector<400x37xi1>, vector<400x37xf32>
    %add3A_467 = arith.addf %add3A_457, %select_n3A_466 : vector<400x37xf32>
    %slice3A_468 = vector.extract_strided_slice %get3A_392 {offsets = [0, 7], sizes = [400, 1], strides = [1, 1]} : vector<400x16xi32> to vector<400x1xi32>
    %eq3A_469 = vector.broadcast %slice3A_468 : vector<400x1xi32> to vector<400x37xi32>
    %eq3A_470 = arith.cmpi eq, %iota3A, %eq3A_469 : vector<400x37xi32>
    %slice3A_471 = vector.extract_strided_slice %get3A_395 {offsets = [0, 7], sizes = [400, 1], strides = [1, 1]} : vector<400x10xf32> to vector<400x1xf32>
    %jit3A_472 = arith.constant 0.000000e+00 : f32
    %broadcast_in_dim3A_473 = vector.shape_cast %slice3A_471 : vector<400x1xf32> to vector<400x1xf32>
    %broadcast_in_dim3A_474 = vector.broadcast %broadcast_in_dim3A_473 : vector<400x1xf32> to vector<400x37xf32>
    %broadcast_in_dim3A_475 = vector.broadcast %jit3A_472 : f32 to vector<400x37xf32>
    %select_n3A_476 = arith.select %eq3A_470, %broadcast_in_dim3A_474, %broadcast_in_dim3A_475 : vector<400x37xi1>, vector<400x37xf32>
    %add3A_477 = arith.addf %add3A_467, %select_n3A_476 : vector<400x37xf32>
    %slice3A_478 = vector.extract_strided_slice %get3A_392 {offsets = [0, 8], sizes = [400, 1], strides = [1, 1]} : vector<400x16xi32> to vector<400x1xi32>
    %eq3A_479 = vector.broadcast %slice3A_478 : vector<400x1xi32> to vector<400x37xi32>
    %eq3A_480 = arith.cmpi eq, %iota3A, %eq3A_479 : vector<400x37xi32>
    %slice3A_481 = vector.extract_strided_slice %get3A_395 {offsets = [0, 8], sizes = [400, 1], strides = [1, 1]} : vector<400x10xf32> to vector<400x1xf32>
    %jit3A_482 = arith.constant 0.000000e+00 : f32
    %broadcast_in_dim3A_483 = vector.shape_cast %slice3A_481 : vector<400x1xf32> to vector<400x1xf32>
    %broadcast_in_dim3A_484 = vector.broadcast %broadcast_in_dim3A_483 : vector<400x1xf32> to vector<400x37xf32>
    %broadcast_in_dim3A_485 = vector.broadcast %jit3A_482 : f32 to vector<400x37xf32>
    %select_n3A_486 = arith.select %eq3A_480, %broadcast_in_dim3A_484, %broadcast_in_dim3A_485 : vector<400x37xi1>, vector<400x37xf32>
    %add3A_487 = arith.addf %add3A_477, %select_n3A_486 : vector<400x37xf32>
    %slice3A_488 = vector.extract_strided_slice %get3A_392 {offsets = [0, 9], sizes = [400, 1], strides = [1, 1]} : vector<400x16xi32> to vector<400x1xi32>
    %eq3A_489 = vector.broadcast %slice3A_488 : vector<400x1xi32> to vector<400x37xi32>
    %eq3A_490 = arith.cmpi eq, %iota3A, %eq3A_489 : vector<400x37xi32>
    %slice3A_491 = vector.extract_strided_slice %get3A_395 {offsets = [0, 9], sizes = [400, 1], strides = [1, 1]} : vector<400x10xf32> to vector<400x1xf32>
    %jit3A_492 = arith.constant 0.000000e+00 : f32
    %broadcast_in_dim3A_493 = vector.shape_cast %slice3A_491 : vector<400x1xf32> to vector<400x1xf32>
    %broadcast_in_dim3A_494 = vector.broadcast %broadcast_in_dim3A_493 : vector<400x1xf32> to vector<400x37xf32>
    %broadcast_in_dim3A_495 = vector.broadcast %jit3A_492 : f32 to vector<400x37xf32>
    %select_n3A_496 = arith.select %eq3A_490, %broadcast_in_dim3A_494, %broadcast_in_dim3A_495 : vector<400x37xi1>, vector<400x37xf32>
    %add3A_497 = arith.addf %add3A_487, %select_n3A_496 : vector<400x37xf32>
    %get3A_498 = arith.constant 3 : index
    %get3A_499 = arith.constant 0 : index
    %get3A_500 = arith.constant 0 : index
    %get3A_501 = vector.load %arg2[%get3A_498, %get3A_499, %get3A_500] : memref<5x37x2048xf32, #tpu.memory_space<vmem>>, vector<1x37x2048xf32>
    %get3A_502 = vector.shape_cast %get3A_501 : vector<1x37x2048xf32> to vector<37x2048xf32>
    %get3A_503 = arith.constant 0 : index
    %get3A_504 = arith.constant 0 : index
    %get3A_505 = vector.load %arg3[%get3A_503, %get3A_504] : memref<512x2048xf32, #tpu.memory_space<vmem>>, vector<512x2048xf32>
    %dot_general3A_506 = arith.constant dense<0.000000e+00> : vector<37x512xf32>
    %dot_general3A_507 = tpu.matmul %get3A_502, %get3A_505, %dot_general3A_506 {dimension_numbers = #tpu.dot_dimension_numbers<[1], [1], [0], [0], [0, 0, 1, 0], [], []>, transpose_lhs_hint = false} : vector<37x2048xf32>, vector<512x2048xf32>, vector<37x512xf32> -> vector<37x512xf32>
    %dot_general3A_508 = arith.constant dense<0.000000e+00> : vector<400x512xf32>
    %dot_general3A_509 = tpu.matmul %add3A_497, %dot_general3A_507, %dot_general3A_508 {dimension_numbers = #tpu.dot_dimension_numbers<[1], [0], [0], [1], [0, 0, 1, 1], [], []>, transpose_lhs_hint = false} : vector<400x37xf32>, vector<37x512xf32>, vector<400x512xf32> -> vector<400x512xf32>
    %get3A_510 = arith.constant 0 : index
    %get3A_511 = arith.constant 0 : index
    %get3A_512 = vector.load %arg4[%get3A_510, %get3A_511] : memref<1x512xf32, #tpu.memory_space<vmem>>, vector<1x512xf32>
    %add3A_513 = vector.broadcast %get3A_512 : vector<1x512xf32> to vector<400x512xf32>
    %add3A_514 = arith.addf %dot_general3A_509, %add3A_513 : vector<400x512xf32>
    %max3A_515 = arith.constant 0.000000e+00 : f32
    %max3A_516 = vector.broadcast %max3A_515 : f32 to vector<400x512xf32>
    %max3A_517 = arith.maximumf %add3A_514, %max3A_516 : vector<400x512xf32>
    %get3A_518 = arith.constant 0 : index
    %get3A_519 = arith.constant 0 : index
    %get3A_520 = vector.load %arg5[%get3A_518, %get3A_519] : memref<1x512xf32, #tpu.memory_space<vmem>>, vector<1x512xf32>
    %dot_general3A_521 = arith.constant dense<0.000000e+00> : vector<1x400xf32>
    %dot_general3A_522 = tpu.matmul %get3A_520, %max3A_517, %dot_general3A_521 {dimension_numbers = #tpu.dot_dimension_numbers<[1], [1], [0], [0], [0, 0, 1, 0], [], []>, transpose_lhs_hint = false} : vector<1x512xf32>, vector<400x512xf32>, vector<1x400xf32> -> vector<1x400xf32>
    %get3A_523 = arith.constant 1600 : index
    %get3A_524 = arith.constant 0 : index
    %get3A_525 = vector.load %arg0[%get3A_523, %get3A_524] : memref<2000x16xi32, #tpu.memory_space<vmem>>, vector<400x16xi32>
    %get3A_526 = arith.constant 1600 : index
    %get3A_527 = arith.constant 0 : index
    %get3A_528 = vector.load %arg1[%get3A_526, %get3A_527] : memref<2000x10xf32, #tpu.memory_space<vmem>>, vector<400x10xf32>
    %broadcast_in_dim3A_529 = arith.constant 0.000000e+00 : f32
    %broadcast_in_dim3A_530 = vector.broadcast %broadcast_in_dim3A_529 : f32 to vector<400x37xf32>
    %slice3A_531 = vector.extract_strided_slice %get3A_525 {offsets = [0, 0], sizes = [400, 1], strides = [1, 1]} : vector<400x16xi32> to vector<400x1xi32>
    %eq3A_532 = vector.broadcast %slice3A_531 : vector<400x1xi32> to vector<400x37xi32>
    %eq3A_533 = arith.cmpi eq, %iota3A, %eq3A_532 : vector<400x37xi32>
    %slice3A_534 = vector.extract_strided_slice %get3A_528 {offsets = [0, 0], sizes = [400, 1], strides = [1, 1]} : vector<400x10xf32> to vector<400x1xf32>
    %jit3A_535 = arith.constant 0.000000e+00 : f32
    %broadcast_in_dim3A_536 = vector.shape_cast %slice3A_534 : vector<400x1xf32> to vector<400x1xf32>
    %broadcast_in_dim3A_537 = vector.broadcast %broadcast_in_dim3A_536 : vector<400x1xf32> to vector<400x37xf32>
    %broadcast_in_dim3A_538 = vector.broadcast %jit3A_535 : f32 to vector<400x37xf32>
    %select_n3A_539 = arith.select %eq3A_533, %broadcast_in_dim3A_537, %broadcast_in_dim3A_538 : vector<400x37xi1>, vector<400x37xf32>
    %add3A_540 = arith.addf %broadcast_in_dim3A_530, %select_n3A_539 : vector<400x37xf32>
    %slice3A_541 = vector.extract_strided_slice %get3A_525 {offsets = [0, 1], sizes = [400, 1], strides = [1, 1]} : vector<400x16xi32> to vector<400x1xi32>
    %eq3A_542 = vector.broadcast %slice3A_541 : vector<400x1xi32> to vector<400x37xi32>
    %eq3A_543 = arith.cmpi eq, %iota3A, %eq3A_542 : vector<400x37xi32>
    %slice3A_544 = vector.extract_strided_slice %get3A_528 {offsets = [0, 1], sizes = [400, 1], strides = [1, 1]} : vector<400x10xf32> to vector<400x1xf32>
    %jit3A_545 = arith.constant 0.000000e+00 : f32
    %broadcast_in_dim3A_546 = vector.shape_cast %slice3A_544 : vector<400x1xf32> to vector<400x1xf32>
    %broadcast_in_dim3A_547 = vector.broadcast %broadcast_in_dim3A_546 : vector<400x1xf32> to vector<400x37xf32>
    %broadcast_in_dim3A_548 = vector.broadcast %jit3A_545 : f32 to vector<400x37xf32>
    %select_n3A_549 = arith.select %eq3A_543, %broadcast_in_dim3A_547, %broadcast_in_dim3A_548 : vector<400x37xi1>, vector<400x37xf32>
    %add3A_550 = arith.addf %add3A_540, %select_n3A_549 : vector<400x37xf32>
    %slice3A_551 = vector.extract_strided_slice %get3A_525 {offsets = [0, 2], sizes = [400, 1], strides = [1, 1]} : vector<400x16xi32> to vector<400x1xi32>
    %eq3A_552 = vector.broadcast %slice3A_551 : vector<400x1xi32> to vector<400x37xi32>
    %eq3A_553 = arith.cmpi eq, %iota3A, %eq3A_552 : vector<400x37xi32>
    %slice3A_554 = vector.extract_strided_slice %get3A_528 {offsets = [0, 2], sizes = [400, 1], strides = [1, 1]} : vector<400x10xf32> to vector<400x1xf32>
    %jit3A_555 = arith.constant 0.000000e+00 : f32
    %broadcast_in_dim3A_556 = vector.shape_cast %slice3A_554 : vector<400x1xf32> to vector<400x1xf32>
    %broadcast_in_dim3A_557 = vector.broadcast %broadcast_in_dim3A_556 : vector<400x1xf32> to vector<400x37xf32>
    %broadcast_in_dim3A_558 = vector.broadcast %jit3A_555 : f32 to vector<400x37xf32>
    %select_n3A_559 = arith.select %eq3A_553, %broadcast_in_dim3A_557, %broadcast_in_dim3A_558 : vector<400x37xi1>, vector<400x37xf32>
    %add3A_560 = arith.addf %add3A_550, %select_n3A_559 : vector<400x37xf32>
    %slice3A_561 = vector.extract_strided_slice %get3A_525 {offsets = [0, 3], sizes = [400, 1], strides = [1, 1]} : vector<400x16xi32> to vector<400x1xi32>
    %eq3A_562 = vector.broadcast %slice3A_561 : vector<400x1xi32> to vector<400x37xi32>
    %eq3A_563 = arith.cmpi eq, %iota3A, %eq3A_562 : vector<400x37xi32>
    %slice3A_564 = vector.extract_strided_slice %get3A_528 {offsets = [0, 3], sizes = [400, 1], strides = [1, 1]} : vector<400x10xf32> to vector<400x1xf32>
    %jit3A_565 = arith.constant 0.000000e+00 : f32
    %broadcast_in_dim3A_566 = vector.shape_cast %slice3A_564 : vector<400x1xf32> to vector<400x1xf32>
    %broadcast_in_dim3A_567 = vector.broadcast %broadcast_in_dim3A_566 : vector<400x1xf32> to vector<400x37xf32>
    %broadcast_in_dim3A_568 = vector.broadcast %jit3A_565 : f32 to vector<400x37xf32>
    %select_n3A_569 = arith.select %eq3A_563, %broadcast_in_dim3A_567, %broadcast_in_dim3A_568 : vector<400x37xi1>, vector<400x37xf32>
    %add3A_570 = arith.addf %add3A_560, %select_n3A_569 : vector<400x37xf32>
    %slice3A_571 = vector.extract_strided_slice %get3A_525 {offsets = [0, 4], sizes = [400, 1], strides = [1, 1]} : vector<400x16xi32> to vector<400x1xi32>
    %eq3A_572 = vector.broadcast %slice3A_571 : vector<400x1xi32> to vector<400x37xi32>
    %eq3A_573 = arith.cmpi eq, %iota3A, %eq3A_572 : vector<400x37xi32>
    %slice3A_574 = vector.extract_strided_slice %get3A_528 {offsets = [0, 4], sizes = [400, 1], strides = [1, 1]} : vector<400x10xf32> to vector<400x1xf32>
    %jit3A_575 = arith.constant 0.000000e+00 : f32
    %broadcast_in_dim3A_576 = vector.shape_cast %slice3A_574 : vector<400x1xf32> to vector<400x1xf32>
    %broadcast_in_dim3A_577 = vector.broadcast %broadcast_in_dim3A_576 : vector<400x1xf32> to vector<400x37xf32>
    %broadcast_in_dim3A_578 = vector.broadcast %jit3A_575 : f32 to vector<400x37xf32>
    %select_n3A_579 = arith.select %eq3A_573, %broadcast_in_dim3A_577, %broadcast_in_dim3A_578 : vector<400x37xi1>, vector<400x37xf32>
    %add3A_580 = arith.addf %add3A_570, %select_n3A_579 : vector<400x37xf32>
    %slice3A_581 = vector.extract_strided_slice %get3A_525 {offsets = [0, 5], sizes = [400, 1], strides = [1, 1]} : vector<400x16xi32> to vector<400x1xi32>
    %eq3A_582 = vector.broadcast %slice3A_581 : vector<400x1xi32> to vector<400x37xi32>
    %eq3A_583 = arith.cmpi eq, %iota3A, %eq3A_582 : vector<400x37xi32>
    %slice3A_584 = vector.extract_strided_slice %get3A_528 {offsets = [0, 5], sizes = [400, 1], strides = [1, 1]} : vector<400x10xf32> to vector<400x1xf32>
    %jit3A_585 = arith.constant 0.000000e+00 : f32
    %broadcast_in_dim3A_586 = vector.shape_cast %slice3A_584 : vector<400x1xf32> to vector<400x1xf32>
    %broadcast_in_dim3A_587 = vector.broadcast %broadcast_in_dim3A_586 : vector<400x1xf32> to vector<400x37xf32>
    %broadcast_in_dim3A_588 = vector.broadcast %jit3A_585 : f32 to vector<400x37xf32>
    %select_n3A_589 = arith.select %eq3A_583, %broadcast_in_dim3A_587, %broadcast_in_dim3A_588 : vector<400x37xi1>, vector<400x37xf32>
    %add3A_590 = arith.addf %add3A_580, %select_n3A_589 : vector<400x37xf32>
    %slice3A_591 = vector.extract_strided_slice %get3A_525 {offsets = [0, 6], sizes = [400, 1], strides = [1, 1]} : vector<400x16xi32> to vector<400x1xi32>
    %eq3A_592 = vector.broadcast %slice3A_591 : vector<400x1xi32> to vector<400x37xi32>
    %eq3A_593 = arith.cmpi eq, %iota3A, %eq3A_592 : vector<400x37xi32>
    %slice3A_594 = vector.extract_strided_slice %get3A_528 {offsets = [0, 6], sizes = [400, 1], strides = [1, 1]} : vector<400x10xf32> to vector<400x1xf32>
    %jit3A_595 = arith.constant 0.000000e+00 : f32
    %broadcast_in_dim3A_596 = vector.shape_cast %slice3A_594 : vector<400x1xf32> to vector<400x1xf32>
    %broadcast_in_dim3A_597 = vector.broadcast %broadcast_in_dim3A_596 : vector<400x1xf32> to vector<400x37xf32>
    %broadcast_in_dim3A_598 = vector.broadcast %jit3A_595 : f32 to vector<400x37xf32>
    %select_n3A_599 = arith.select %eq3A_593, %broadcast_in_dim3A_597, %broadcast_in_dim3A_598 : vector<400x37xi1>, vector<400x37xf32>
    %add3A_600 = arith.addf %add3A_590, %select_n3A_599 : vector<400x37xf32>
    %slice3A_601 = vector.extract_strided_slice %get3A_525 {offsets = [0, 7], sizes = [400, 1], strides = [1, 1]} : vector<400x16xi32> to vector<400x1xi32>
    %eq3A_602 = vector.broadcast %slice3A_601 : vector<400x1xi32> to vector<400x37xi32>
    %eq3A_603 = arith.cmpi eq, %iota3A, %eq3A_602 : vector<400x37xi32>
    %slice3A_604 = vector.extract_strided_slice %get3A_528 {offsets = [0, 7], sizes = [400, 1], strides = [1, 1]} : vector<400x10xf32> to vector<400x1xf32>
    %jit3A_605 = arith.constant 0.000000e+00 : f32
    %broadcast_in_dim3A_606 = vector.shape_cast %slice3A_604 : vector<400x1xf32> to vector<400x1xf32>
    %broadcast_in_dim3A_607 = vector.broadcast %broadcast_in_dim3A_606 : vector<400x1xf32> to vector<400x37xf32>
    %broadcast_in_dim3A_608 = vector.broadcast %jit3A_605 : f32 to vector<400x37xf32>
    %select_n3A_609 = arith.select %eq3A_603, %broadcast_in_dim3A_607, %broadcast_in_dim3A_608 : vector<400x37xi1>, vector<400x37xf32>
    %add3A_610 = arith.addf %add3A_600, %select_n3A_609 : vector<400x37xf32>
    %slice3A_611 = vector.extract_strided_slice %get3A_525 {offsets = [0, 8], sizes = [400, 1], strides = [1, 1]} : vector<400x16xi32> to vector<400x1xi32>
    %eq3A_612 = vector.broadcast %slice3A_611 : vector<400x1xi32> to vector<400x37xi32>
    %eq3A_613 = arith.cmpi eq, %iota3A, %eq3A_612 : vector<400x37xi32>
    %slice3A_614 = vector.extract_strided_slice %get3A_528 {offsets = [0, 8], sizes = [400, 1], strides = [1, 1]} : vector<400x10xf32> to vector<400x1xf32>
    %jit3A_615 = arith.constant 0.000000e+00 : f32
    %broadcast_in_dim3A_616 = vector.shape_cast %slice3A_614 : vector<400x1xf32> to vector<400x1xf32>
    %broadcast_in_dim3A_617 = vector.broadcast %broadcast_in_dim3A_616 : vector<400x1xf32> to vector<400x37xf32>
    %broadcast_in_dim3A_618 = vector.broadcast %jit3A_615 : f32 to vector<400x37xf32>
    %select_n3A_619 = arith.select %eq3A_613, %broadcast_in_dim3A_617, %broadcast_in_dim3A_618 : vector<400x37xi1>, vector<400x37xf32>
    %add3A_620 = arith.addf %add3A_610, %select_n3A_619 : vector<400x37xf32>
    %slice3A_621 = vector.extract_strided_slice %get3A_525 {offsets = [0, 9], sizes = [400, 1], strides = [1, 1]} : vector<400x16xi32> to vector<400x1xi32>
    %eq3A_622 = vector.broadcast %slice3A_621 : vector<400x1xi32> to vector<400x37xi32>
    %eq3A_623 = arith.cmpi eq, %iota3A, %eq3A_622 : vector<400x37xi32>
    %slice3A_624 = vector.extract_strided_slice %get3A_528 {offsets = [0, 9], sizes = [400, 1], strides = [1, 1]} : vector<400x10xf32> to vector<400x1xf32>
    %jit3A_625 = arith.constant 0.000000e+00 : f32
    %broadcast_in_dim3A_626 = vector.shape_cast %slice3A_624 : vector<400x1xf32> to vector<400x1xf32>
    %broadcast_in_dim3A_627 = vector.broadcast %broadcast_in_dim3A_626 : vector<400x1xf32> to vector<400x37xf32>
    %broadcast_in_dim3A_628 = vector.broadcast %jit3A_625 : f32 to vector<400x37xf32>
    %select_n3A_629 = arith.select %eq3A_623, %broadcast_in_dim3A_627, %broadcast_in_dim3A_628 : vector<400x37xi1>, vector<400x37xf32>
    %add3A_630 = arith.addf %add3A_620, %select_n3A_629 : vector<400x37xf32>
    %get3A_631 = arith.constant 4 : index
    %get3A_632 = arith.constant 0 : index
    %get3A_633 = arith.constant 0 : index
    %get3A_634 = vector.load %arg2[%get3A_631, %get3A_632, %get3A_633] : memref<5x37x2048xf32, #tpu.memory_space<vmem>>, vector<1x37x2048xf32>
    %get3A_635 = vector.shape_cast %get3A_634 : vector<1x37x2048xf32> to vector<37x2048xf32>
    %get3A_636 = arith.constant 0 : index
    %get3A_637 = arith.constant 0 : index
    %get3A_638 = vector.load %arg3[%get3A_636, %get3A_637] : memref<512x2048xf32, #tpu.memory_space<vmem>>, vector<512x2048xf32>
    %dot_general3A_639 = arith.constant dense<0.000000e+00> : vector<37x512xf32>
    %dot_general3A_640 = tpu.matmul %get3A_635, %get3A_638, %dot_general3A_639 {dimension_numbers = #tpu.dot_dimension_numbers<[1], [1], [0], [0], [0, 0, 1, 0], [], []>, transpose_lhs_hint = false} : vector<37x2048xf32>, vector<512x2048xf32>, vector<37x512xf32> -> vector<37x512xf32>
    %dot_general3A_641 = arith.constant dense<0.000000e+00> : vector<400x512xf32>
    %dot_general3A_642 = tpu.matmul %add3A_630, %dot_general3A_640, %dot_general3A_641 {dimension_numbers = #tpu.dot_dimension_numbers<[1], [0], [0], [1], [0, 0, 1, 1], [], []>, transpose_lhs_hint = false} : vector<400x37xf32>, vector<37x512xf32>, vector<400x512xf32> -> vector<400x512xf32>
    %get3A_643 = arith.constant 0 : index
    %get3A_644 = arith.constant 0 : index
    %get3A_645 = vector.load %arg4[%get3A_643, %get3A_644] : memref<1x512xf32, #tpu.memory_space<vmem>>, vector<1x512xf32>
    %add3A_646 = vector.broadcast %get3A_645 : vector<1x512xf32> to vector<400x512xf32>
    %add3A_647 = arith.addf %dot_general3A_642, %add3A_646 : vector<400x512xf32>
    %max3A_648 = arith.constant 0.000000e+00 : f32
    %max3A_649 = vector.broadcast %max3A_648 : f32 to vector<400x512xf32>
    %max3A_650 = arith.maximumf %add3A_647, %max3A_649 : vector<400x512xf32>
    %get3A_651 = arith.constant 0 : index
    %get3A_652 = arith.constant 0 : index
    %get3A_653 = vector.load %arg5[%get3A_651, %get3A_652] : memref<1x512xf32, #tpu.memory_space<vmem>>, vector<1x512xf32>
    %dot_general3A_654 = arith.constant dense<0.000000e+00> : vector<1x400xf32>
    %dot_general3A_655 = tpu.matmul %get3A_653, %max3A_650, %dot_general3A_654 {dimension_numbers = #tpu.dot_dimension_numbers<[1], [1], [0], [0], [0, 0, 1, 0], [], []>, transpose_lhs_hint = false} : vector<1x512xf32>, vector<400x512xf32>, vector<1x400xf32> -> vector<1x400xf32>
    %concatenate3A = tpu.concatenate %dot_general3A_123, %dot_general3A_256, %dot_general3A_389, %dot_general3A_522, %dot_general3A_655 in 0 : vector<1x400xf32>, vector<1x400xf32>, vector<1x400xf32>, vector<1x400xf32>, vector<1x400xf32> -> vector<5x400xf32>
    %get3A_656 = arith.constant 0 : index
    %get3A_657 = arith.constant 0 : index
    %get3A_658 = vector.load %arg6[%get3A_656, %get3A_657] : memref<1x1xf32, #tpu.memory_space<vmem>>, vector<1x1xf32>
    %get3A_659 = vector.extract %get3A_658[0, 0] : f32 from vector<1x1xf32>
    %add3A_660 = vector.broadcast %get3A_659 : f32 to vector<5x400xf32>
    %add3A_661 = arith.addf %concatenate3A, %add3A_660 : vector<5x400xf32>
    %logistic3A = arith.negf %add3A_661 : vector<5x400xf32>
    %logistic3A_662 = math.exp %logistic3A : vector<5x400xf32>
    %logistic3A_663 = arith.constant 1.000000e+00 : f32
    %logistic3A_664 = vector.broadcast %logistic3A_663 : f32 to vector<5x400xf32>
    %logistic3A_665 = arith.addf %logistic3A_664, %logistic3A_662 : vector<5x400xf32>
    %logistic3A_666 = arith.divf %logistic3A_664, %logistic3A_665 : vector<5x400xf32>
    %iota3A_667 = tpu.iota {dimensions = array<i32: 1>} : vector<5x400xi32>
    %log3A = math.log %logistic3A_666 : vector<5x400xf32>
    %max3A_668 = arith.constant -1.000000e+02 : f32
    %max3A_669 = vector.broadcast %max3A_668 : f32 to vector<5x400xf32>
    %max3A_670 = arith.maximumf %log3A, %max3A_669 : vector<5x400xf32>
    %sub3A = arith.constant 1.000000e+00 : f32
    %sub3A_671 = vector.broadcast %sub3A : f32 to vector<5x400xf32>
    %sub3A_672 = arith.subf %sub3A_671, %logistic3A_666 : vector<5x400xf32>
    %log3A_673 = math.log %sub3A_672 : vector<5x400xf32>
    %max3A_674 = arith.constant -1.000000e+02 : f32
    %max3A_675 = vector.broadcast %max3A_674 : f32 to vector<5x400xf32>
    %max3A_676 = arith.maximumf %log3A_673, %max3A_675 : vector<5x400xf32>
    %lt3A = arith.constant 200 : i32
    %lt3A_677 = vector.broadcast %lt3A : i32 to vector<5x400xi32>
    %lt3A_678 = arith.cmpi slt, %iota3A_667, %lt3A_677 : vector<5x400xi32>
    %select_n3A_679 = arith.select %lt3A_678, %max3A_670, %max3A_676 : vector<5x400xi1>, vector<5x400xf32>
    %reduce_sum3A = vector.shape_cast %select_n3A_679 : vector<5x400xf32> to vector<1x5x400xf32>
    %reduce_sum3A_680 = arith.constant dense<0.000000e+00> : vector<1xf32>
    %reduce_sum3A_681 = vector.multi_reduction <add>, %reduce_sum3A, %reduce_sum3A_680 [1, 2] : vector<1x5x400xf32> to vector<1xf32>
    %reduce_sum3A_682 = vector.shape_cast %reduce_sum3A_681 : vector<1xf32> to vector<1x1x1xf32>
    %reduce_sum3A_683 = vector.extract %reduce_sum3A_682[0, 0, 0] : f32 from vector<1x1x1xf32>
    %neg3A = arith.constant 0.000000e+00 : f32
    %neg3A_684 = arith.subf %neg3A, %reduce_sum3A_683 : f32
    %div3A = arith.constant 2.000000e+03 : f32
    %div3A_685 = arith.divf %neg3A_684, %div3A : f32
    %swap3A = arith.constant 0 : index
    %swap3A_686 = memref.load %arg12[%swap3A] : memref<1xf32, #tpu.memory_space<smem>>
    memref.store %div3A_685, %arg12[%swap3A] : memref<1xf32, #tpu.memory_space<smem>>
    %slice3A_687 = vector.extract_strided_slice %logistic3A_666 {offsets = [0, 0], sizes = [1, 400], strides = [1, 1]} : vector<5x400xf32> to vector<1x400xf32>
    %iota3A_688 = tpu.iota {dimensions = array<i32: 1>} : vector<1x400xi32>
    %reduce_max3A = vector.shape_cast %slice3A_687 : vector<1x400xf32> to vector<1x1x400xf32>
    %reduce_max3A_689 = arith.constant dense<0xFF800000> : vector<1xf32>
    %reduce_max3A_690 = vector.multi_reduction <maximumf>, %reduce_max3A, %reduce_max3A_689 [1, 2] : vector<1x1x400xf32> to vector<1xf32>
    %reduce_max3A_691 = vector.shape_cast %reduce_max3A_690 : vector<1xf32> to vector<1x1x1xf32>
    %reduce_max3A_692 = vector.extract %reduce_max3A_691[0, 0, 0] : f32 from vector<1x1x1xf32>
    %eq3A_693 = vector.broadcast %reduce_max3A_692 : f32 to vector<1x400xf32>
    %eq3A_694 = arith.cmpf oeq, %slice3A_687, %eq3A_693 : vector<1x400xf32>
    %jit3A_695 = arith.constant -1 : i32
    %broadcast_in_dim3A_696 = vector.broadcast %jit3A_695 : i32 to vector<1x400xi32>
    %select_n3A_697 = arith.select %eq3A_694, %iota3A_688, %broadcast_in_dim3A_696 : vector<1x400xi1>, vector<1x400xi32>
    %reduce_max3A_698 = vector.shape_cast %select_n3A_697 : vector<1x400xi32> to vector<1x1x400xi32>
    %reduce_max3A_699 = arith.constant dense<-2147483648> : vector<1xi32>
    %reduce_max3A_700 = vector.multi_reduction <maxsi>, %reduce_max3A_698, %reduce_max3A_699 [1, 2] : vector<1x1x400xi32> to vector<1xi32>
    %reduce_max3A_701 = vector.shape_cast %reduce_max3A_700 : vector<1xi32> to vector<1x1x1xi32>
    %reduce_max3A_702 = vector.extract %reduce_max3A_701[0, 0, 0] : i32 from vector<1x1x1xi32>
    %swap3A_703 = arith.constant 0 : index
    %swap3A_704 = memref.load %arg17[%swap3A_703] : memref<1xi32, #tpu.memory_space<smem>>
    memref.store %reduce_max3A_702, %arg17[%swap3A_703] : memref<1xi32, #tpu.memory_space<smem>>
    %swap3A_705 = arith.constant 0 : index
    %swap3A_706 = memref.load %arg13[%swap3A_705] : memref<1xf32, #tpu.memory_space<smem>>
    memref.store %reduce_max3A_692, %arg13[%swap3A_705] : memref<1xf32, #tpu.memory_space<smem>>
    %get3A_707 = arith.index_cast %reduce_max3A_702 : i32 to index
    %get3A_708 = arith.constant 0 : index
    %get3A_709 = vector.load %arg1[%get3A_707, %get3A_708] : memref<2000x10xf32, #tpu.memory_space<vmem>>, vector<1x10xf32>
    %get3A_710 = arith.index_cast %reduce_max3A_702 : i32 to index
    %get3A_711 = arith.constant 0 : index
    %get3A_712 = vector.load %arg0[%get3A_710, %get3A_711] : memref<2000x16xi32, #tpu.memory_space<vmem>>, vector<1x16xi32>
    %get3A_713 = arith.index_cast %reduce_max3A_702 : i32 to index
    %get3A_714 = arith.constant 0 : index
    %get3A_715 = vector.load %arg11[%get3A_713, %get3A_714] : memref<2000x10xf32, #tpu.memory_space<vmem>>, vector<1x10xf32>
    %swap3A_716 = arith.constant 0 : index
    %swap3A_717 = arith.constant 0 : index
    %swap3A_718 = vector.load %arg16[%swap3A_716, %swap3A_717] : memref<1x10xf32, #tpu.memory_space<vmem>>, vector<1x10xf32>
    tpu.vector_store %arg16[%swap3A_716, %swap3A_717], %get3A_715 {strides = array<i32>} : memref<1x10xf32, #tpu.memory_space<vmem>>, vector<1x10xf32>,
    %swap3A_719 = arith.constant 0 : index
    %swap3A_720 = arith.constant 0 : index
    %swap3A_721 = vector.load %arg14[%swap3A_719, %swap3A_720] : memref<1x16xi32, #tpu.memory_space<vmem>>, vector<1x16xi32>
    tpu.vector_store %arg14[%swap3A_719, %swap3A_720], %get3A_712 {strides = array<i32>} : memref<1x16xi32, #tpu.memory_space<vmem>>, vector<1x16xi32>,
    %broadcast_in_dim3A_722 = arith.constant 0.000000e+00 : f32
    %broadcast_in_dim3A_723 = vector.broadcast %broadcast_in_dim3A_722 : f32 to vector<1x2048xf32>
    %slice3A_724 = vector.extract_strided_slice %get3A_712 {offsets = [0, 0], sizes = [1, 1], strides = [1, 1]} : vector<1x16xi32> to vector<1x1xi32>
    %squeeze3A = vector.extract %slice3A_724[0, 0] : i32 from vector<1x1xi32>
    %get3A_725 = arith.constant 0 : index
    %get3A_726 = arith.index_cast %squeeze3A : i32 to index
    %get3A_727 = arith.constant 0 : index
    %get3A_728 = vector.load %arg2[%get3A_725, %get3A_726, %get3A_727] : memref<5x37x2048xf32, #tpu.memory_space<vmem>>, vector<1x1x2048xf32>
    %get3A_729 = vector.shape_cast %get3A_728 : vector<1x1x2048xf32> to vector<1x2048xf32>
    %slice3A_730 = vector.extract_strided_slice %get3A_709 {offsets = [0, 0], sizes = [1, 1], strides = [1, 1]} : vector<1x10xf32> to vector<1x1xf32>
    %squeeze3A_731 = vector.extract %slice3A_730[0, 0] : f32 from vector<1x1xf32>
    %mul3A = vector.broadcast %squeeze3A_731 : f32 to vector<1x2048xf32>
    %mul3A_732 = arith.mulf %mul3A, %get3A_729 : vector<1x2048xf32>
    %add3A_733 = arith.addf %broadcast_in_dim3A_723, %mul3A_732 : vector<1x2048xf32>
    %slice3A_734 = vector.extract_strided_slice %get3A_712 {offsets = [0, 1], sizes = [1, 1], strides = [1, 1]} : vector<1x16xi32> to vector<1x1xi32>
    %squeeze3A_735 = vector.extract %slice3A_734[0, 0] : i32 from vector<1x1xi32>
    %get3A_736 = arith.constant 0 : index
    %get3A_737 = arith.index_cast %squeeze3A_735 : i32 to index
    %get3A_738 = arith.constant 0 : index
    %get3A_739 = vector.load %arg2[%get3A_736, %get3A_737, %get3A_738] : memref<5x37x2048xf32, #tpu.memory_space<vmem>>, vector<1x1x2048xf32>
    %get3A_740 = vector.shape_cast %get3A_739 : vector<1x1x2048xf32> to vector<1x2048xf32>
    %slice3A_741 = vector.extract_strided_slice %get3A_709 {offsets = [0, 1], sizes = [1, 1], strides = [1, 1]} : vector<1x10xf32> to vector<1x1xf32>
    %squeeze3A_742 = vector.extract %slice3A_741[0, 0] : f32 from vector<1x1xf32>
    %mul3A_743 = vector.broadcast %squeeze3A_742 : f32 to vector<1x2048xf32>
    %mul3A_744 = arith.mulf %mul3A_743, %get3A_740 : vector<1x2048xf32>
    %add3A_745 = arith.addf %add3A_733, %mul3A_744 : vector<1x2048xf32>
    %slice3A_746 = vector.extract_strided_slice %get3A_712 {offsets = [0, 2], sizes = [1, 1], strides = [1, 1]} : vector<1x16xi32> to vector<1x1xi32>
    %squeeze3A_747 = vector.extract %slice3A_746[0, 0] : i32 from vector<1x1xi32>
    %get3A_748 = arith.constant 0 : index
    %get3A_749 = arith.index_cast %squeeze3A_747 : i32 to index
    %get3A_750 = arith.constant 0 : index
    %get3A_751 = vector.load %arg2[%get3A_748, %get3A_749, %get3A_750] : memref<5x37x2048xf32, #tpu.memory_space<vmem>>, vector<1x1x2048xf32>
    %get3A_752 = vector.shape_cast %get3A_751 : vector<1x1x2048xf32> to vector<1x2048xf32>
    %slice3A_753 = vector.extract_strided_slice %get3A_709 {offsets = [0, 2], sizes = [1, 1], strides = [1, 1]} : vector<1x10xf32> to vector<1x1xf32>
    %squeeze3A_754 = vector.extract %slice3A_753[0, 0] : f32 from vector<1x1xf32>
    %mul3A_755 = vector.broadcast %squeeze3A_754 : f32 to vector<1x2048xf32>
    %mul3A_756 = arith.mulf %mul3A_755, %get3A_752 : vector<1x2048xf32>
    %add3A_757 = arith.addf %add3A_745, %mul3A_756 : vector<1x2048xf32>
    %slice3A_758 = vector.extract_strided_slice %get3A_712 {offsets = [0, 3], sizes = [1, 1], strides = [1, 1]} : vector<1x16xi32> to vector<1x1xi32>
    %squeeze3A_759 = vector.extract %slice3A_758[0, 0] : i32 from vector<1x1xi32>
    %get3A_760 = arith.constant 0 : index
    %get3A_761 = arith.index_cast %squeeze3A_759 : i32 to index
    %get3A_762 = arith.constant 0 : index
    %get3A_763 = vector.load %arg2[%get3A_760, %get3A_761, %get3A_762] : memref<5x37x2048xf32, #tpu.memory_space<vmem>>, vector<1x1x2048xf32>
    %get3A_764 = vector.shape_cast %get3A_763 : vector<1x1x2048xf32> to vector<1x2048xf32>
    %slice3A_765 = vector.extract_strided_slice %get3A_709 {offsets = [0, 3], sizes = [1, 1], strides = [1, 1]} : vector<1x10xf32> to vector<1x1xf32>
    %squeeze3A_766 = vector.extract %slice3A_765[0, 0] : f32 from vector<1x1xf32>
    %mul3A_767 = vector.broadcast %squeeze3A_766 : f32 to vector<1x2048xf32>
    %mul3A_768 = arith.mulf %mul3A_767, %get3A_764 : vector<1x2048xf32>
    %add3A_769 = arith.addf %add3A_757, %mul3A_768 : vector<1x2048xf32>
    %slice3A_770 = vector.extract_strided_slice %get3A_712 {offsets = [0, 4], sizes = [1, 1], strides = [1, 1]} : vector<1x16xi32> to vector<1x1xi32>
    %squeeze3A_771 = vector.extract %slice3A_770[0, 0] : i32 from vector<1x1xi32>
    %get3A_772 = arith.constant 0 : index
    %get3A_773 = arith.index_cast %squeeze3A_771 : i32 to index
    %get3A_774 = arith.constant 0 : index
    %get3A_775 = vector.load %arg2[%get3A_772, %get3A_773, %get3A_774] : memref<5x37x2048xf32, #tpu.memory_space<vmem>>, vector<1x1x2048xf32>
    %get3A_776 = vector.shape_cast %get3A_775 : vector<1x1x2048xf32> to vector<1x2048xf32>
    %slice3A_777 = vector.extract_strided_slice %get3A_709 {offsets = [0, 4], sizes = [1, 1], strides = [1, 1]} : vector<1x10xf32> to vector<1x1xf32>
    %squeeze3A_778 = vector.extract %slice3A_777[0, 0] : f32 from vector<1x1xf32>
    %mul3A_779 = vector.broadcast %squeeze3A_778 : f32 to vector<1x2048xf32>
    %mul3A_780 = arith.mulf %mul3A_779, %get3A_776 : vector<1x2048xf32>
    %add3A_781 = arith.addf %add3A_769, %mul3A_780 : vector<1x2048xf32>
    %slice3A_782 = vector.extract_strided_slice %get3A_712 {offsets = [0, 5], sizes = [1, 1], strides = [1, 1]} : vector<1x16xi32> to vector<1x1xi32>
    %squeeze3A_783 = vector.extract %slice3A_782[0, 0] : i32 from vector<1x1xi32>
    %get3A_784 = arith.constant 0 : index
    %get3A_785 = arith.index_cast %squeeze3A_783 : i32 to index
    %get3A_786 = arith.constant 0 : index
    %get3A_787 = vector.load %arg2[%get3A_784, %get3A_785, %get3A_786] : memref<5x37x2048xf32, #tpu.memory_space<vmem>>, vector<1x1x2048xf32>
    %get3A_788 = vector.shape_cast %get3A_787 : vector<1x1x2048xf32> to vector<1x2048xf32>
    %slice3A_789 = vector.extract_strided_slice %get3A_709 {offsets = [0, 5], sizes = [1, 1], strides = [1, 1]} : vector<1x10xf32> to vector<1x1xf32>
    %squeeze3A_790 = vector.extract %slice3A_789[0, 0] : f32 from vector<1x1xf32>
    %mul3A_791 = vector.broadcast %squeeze3A_790 : f32 to vector<1x2048xf32>
    %mul3A_792 = arith.mulf %mul3A_791, %get3A_788 : vector<1x2048xf32>
    %add3A_793 = arith.addf %add3A_781, %mul3A_792 : vector<1x2048xf32>
    %slice3A_794 = vector.extract_strided_slice %get3A_712 {offsets = [0, 6], sizes = [1, 1], strides = [1, 1]} : vector<1x16xi32> to vector<1x1xi32>
    %squeeze3A_795 = vector.extract %slice3A_794[0, 0] : i32 from vector<1x1xi32>
    %get3A_796 = arith.constant 0 : index
    %get3A_797 = arith.index_cast %squeeze3A_795 : i32 to index
    %get3A_798 = arith.constant 0 : index
    %get3A_799 = vector.load %arg2[%get3A_796, %get3A_797, %get3A_798] : memref<5x37x2048xf32, #tpu.memory_space<vmem>>, vector<1x1x2048xf32>
    %get3A_800 = vector.shape_cast %get3A_799 : vector<1x1x2048xf32> to vector<1x2048xf32>
    %slice3A_801 = vector.extract_strided_slice %get3A_709 {offsets = [0, 6], sizes = [1, 1], strides = [1, 1]} : vector<1x10xf32> to vector<1x1xf32>
    %squeeze3A_802 = vector.extract %slice3A_801[0, 0] : f32 from vector<1x1xf32>
    %mul3A_803 = vector.broadcast %squeeze3A_802 : f32 to vector<1x2048xf32>
    %mul3A_804 = arith.mulf %mul3A_803, %get3A_800 : vector<1x2048xf32>
    %add3A_805 = arith.addf %add3A_793, %mul3A_804 : vector<1x2048xf32>
    %slice3A_806 = vector.extract_strided_slice %get3A_712 {offsets = [0, 7], sizes = [1, 1], strides = [1, 1]} : vector<1x16xi32> to vector<1x1xi32>
    %squeeze3A_807 = vector.extract %slice3A_806[0, 0] : i32 from vector<1x1xi32>
    %get3A_808 = arith.constant 0 : index
    %get3A_809 = arith.index_cast %squeeze3A_807 : i32 to index
    %get3A_810 = arith.constant 0 : index
    %get3A_811 = vector.load %arg2[%get3A_808, %get3A_809, %get3A_810] : memref<5x37x2048xf32, #tpu.memory_space<vmem>>, vector<1x1x2048xf32>
    %get3A_812 = vector.shape_cast %get3A_811 : vector<1x1x2048xf32> to vector<1x2048xf32>
    %slice3A_813 = vector.extract_strided_slice %get3A_709 {offsets = [0, 7], sizes = [1, 1], strides = [1, 1]} : vector<1x10xf32> to vector<1x1xf32>
    %squeeze3A_814 = vector.extract %slice3A_813[0, 0] : f32 from vector<1x1xf32>
    %mul3A_815 = vector.broadcast %squeeze3A_814 : f32 to vector<1x2048xf32>
    %mul3A_816 = arith.mulf %mul3A_815, %get3A_812 : vector<1x2048xf32>
    %add3A_817 = arith.addf %add3A_805, %mul3A_816 : vector<1x2048xf32>
    %slice3A_818 = vector.extract_strided_slice %get3A_712 {offsets = [0, 8], sizes = [1, 1], strides = [1, 1]} : vector<1x16xi32> to vector<1x1xi32>
    %squeeze3A_819 = vector.extract %slice3A_818[0, 0] : i32 from vector<1x1xi32>
    %get3A_820 = arith.constant 0 : index
    %get3A_821 = arith.index_cast %squeeze3A_819 : i32 to index
    %get3A_822 = arith.constant 0 : index
    %get3A_823 = vector.load %arg2[%get3A_820, %get3A_821, %get3A_822] : memref<5x37x2048xf32, #tpu.memory_space<vmem>>, vector<1x1x2048xf32>
    %get3A_824 = vector.shape_cast %get3A_823 : vector<1x1x2048xf32> to vector<1x2048xf32>
    %slice3A_825 = vector.extract_strided_slice %get3A_709 {offsets = [0, 8], sizes = [1, 1], strides = [1, 1]} : vector<1x10xf32> to vector<1x1xf32>
    %squeeze3A_826 = vector.extract %slice3A_825[0, 0] : f32 from vector<1x1xf32>
    %mul3A_827 = vector.broadcast %squeeze3A_826 : f32 to vector<1x2048xf32>
    %mul3A_828 = arith.mulf %mul3A_827, %get3A_824 : vector<1x2048xf32>
    %add3A_829 = arith.addf %add3A_817, %mul3A_828 : vector<1x2048xf32>
    %slice3A_830 = vector.extract_strided_slice %get3A_712 {offsets = [0, 9], sizes = [1, 1], strides = [1, 1]} : vector<1x16xi32> to vector<1x1xi32>
    %squeeze3A_831 = vector.extract %slice3A_830[0, 0] : i32 from vector<1x1xi32>
    %get3A_832 = arith.constant 0 : index
    %get3A_833 = arith.index_cast %squeeze3A_831 : i32 to index
    %get3A_834 = arith.constant 0 : index
    %get3A_835 = vector.load %arg2[%get3A_832, %get3A_833, %get3A_834] : memref<5x37x2048xf32, #tpu.memory_space<vmem>>, vector<1x1x2048xf32>
    %get3A_836 = vector.shape_cast %get3A_835 : vector<1x1x2048xf32> to vector<1x2048xf32>
    %slice3A_837 = vector.extract_strided_slice %get3A_709 {offsets = [0, 9], sizes = [1, 1], strides = [1, 1]} : vector<1x10xf32> to vector<1x1xf32>
    %squeeze3A_838 = vector.extract %slice3A_837[0, 0] : f32 from vector<1x1xf32>
    %mul3A_839 = vector.broadcast %squeeze3A_838 : f32 to vector<1x2048xf32>
    %mul3A_840 = arith.mulf %mul3A_839, %get3A_836 : vector<1x2048xf32>
    %add3A_841 = arith.addf %add3A_829, %mul3A_840 : vector<1x2048xf32>
    %get3A_842 = arith.constant 0 : index
    %get3A_843 = arith.constant 0 : index
    %get3A_844 = vector.load %arg7[%get3A_842, %get3A_843] : memref<512x2048xf32, #tpu.memory_space<vmem>>, vector<512x2048xf32>
    %dot_general3A_845 = arith.constant dense<0.000000e+00> : vector<1x512xf32>
    %dot_general3A_846 = tpu.matmul %add3A_841, %get3A_844, %dot_general3A_845 {dimension_numbers = #tpu.dot_dimension_numbers<[1], [1], [0], [0], [0, 0, 1, 0], [], []>, transpose_lhs_hint = false} : vector<1x2048xf32>, vector<512x2048xf32>, vector<1x512xf32> -> vector<1x512xf32>
    %get3A_847 = arith.constant 0 : index
    %get3A_848 = arith.constant 0 : index
    %get3A_849 = vector.load %arg8[%get3A_847, %get3A_848] : memref<1x512xf32, #tpu.memory_space<vmem>>, vector<1x512xf32>
    %add3A_850 = arith.addf %dot_general3A_846, %get3A_849 : vector<1x512xf32>
    %get3A_851 = arith.constant 0 : index
    %get3A_852 = arith.constant 0 : index
    %get3A_853 = vector.load %arg9[%get3A_851, %get3A_852] : memref<2048x512xf32, #tpu.memory_space<vmem>>, vector<2048x512xf32>
    %dot_general3A_854 = arith.constant dense<0.000000e+00> : vector<1x2048xf32>
    %dot_general3A_855 = tpu.matmul %add3A_850, %get3A_853, %dot_general3A_854 {dimension_numbers = #tpu.dot_dimension_numbers<[1], [1], [0], [0], [0, 0, 1, 0], [], []>, transpose_lhs_hint = false} : vector<1x512xf32>, vector<2048x512xf32>, vector<1x2048xf32> -> vector<1x2048xf32>
    %get3A_856 = arith.constant 0 : index
    %get3A_857 = arith.constant 0 : index
    %get3A_858 = vector.load %arg10[%get3A_856, %get3A_857] : memref<1x2048xf32, #tpu.memory_space<vmem>>, vector<1x2048xf32>
    %add3A_859 = arith.addf %dot_general3A_855, %get3A_858 : vector<1x2048xf32>
    %swap3A_860 = arith.constant 0 : index
    %swap3A_861 = arith.constant 0 : index
    %swap3A_862 = vector.load %arg15[%swap3A_860, %swap3A_861] : memref<1x2048xf32, #tpu.memory_space<vmem>>, vector<1x2048xf32>
    tpu.vector_store %arg15[%swap3A_860, %swap3A_861], %add3A_859 {strides = array<i32>} : memref<1x2048xf32, #tpu.memory_space<vmem>>, vector<1x2048xf32>,
    return
  }
}

</mosaic_0001>

<sc_bundles>
// kernel: kernel.4.cloned.1.call-start
scs
__scs_entry_jumppad:
0x0: {  	(pc) =	sbr.rel $0x88, $3  }
0x1: {  	(tag) =	ssettag $0x0;
	lr =	simm.s32 $0x1  }
0x2: {  	[smem:$0x3F95] =	sst lr;
	_ =	strace $0xD0000000  }
0x3: {  	_ = 	snop  }
0x4: {  	_ = 	snop  }
0x5: {  	_ = 	snop  }
0x6: {  	_ = 	snop  }
0x7: {  	_ = 	snop  }
__scs_overlays_trampoline_lowered:
0x8: {  	[smem:$0x3FA4] =	sst s0  }
0x9: {  	[smem:$0x3FA5] =	sst s1  }
0xa: {  	[smem:$0x3FA6] =	sst s2  }
0xb: {  	[smem:$0x3FA7] =	sst s3  }
0xc: {  	[smem:$0x3FA8] =	sst s4  }
0xd: {  	[smem:$0x3FA9] =	sst s5  }
0xe: {  	[smem:$0x3FAA] =	sst s6  }
0xf: {  	[smem:$0x3FAB] =	sst s7  }
0x10: {  	[smem:$0x3FAC] =	sst s8  }
0x11: {  	[smem:$0x3FAD] =	sst s9;
	s0 =	simm.s32 @!p0 $0x0  }
0x12: {  	s1 =	sld [smem:$0x3F93];
	s0 =	simm.s32 @p0 $0x1  }
0x13: {  	[smem:$0x3FAE] =	sst s0;
	s0 =	simm.s32 @!p1 $0x0  }
0x14: {  	s2 =	sld [smem:$0x3F92];
	s0 =	simm.s32 @p1 $0x1  }
0x15: {  	[smem:$0x3FAF] =	sst s0;
	s0 =	simm.s32 @!p2 $0x0  }
0x16: {  	s3 =	sld [smem:$0x3FDB];
	s0 =	simm.s32 @p2 $0x1  }
0x17: {  	s4 =	simm.s32 $0x1BF5;
	[smem:$0x3FB1] =	sst s0  }
0x18: {  	s0 =	sld [smem:$0x3F94];
	_ =	swait.ge [sflag:s4], $0x0  }
0x19: {  	s7 =	sld [smem:$0x3F95]  }
0x1a: {  	s8 =	sadd.s32 $0xFFFFE003, lr  }
0x1b: {  	s9 =	sadd.s32 $0xFFFFFEF7, lr;
	s5 =	simm.s32 $0xFFFFFFFF;
	p2 =	slt.u32 s8, $0xFFFFF086  }
0x1c: {  	p1 =	slt.u32 s9, $0xF7A;
	s5 =	simm.s32 @!p2 $0x0  }
0x1d: {  	s5 =	simm.s32 @p1 $0x1;
	p0 =	seq.s32 s7, s2  }
0x1e: {  	s7 =	smul.u32 @!p0 $0xF7A, s2;
	p2 =	seq.s32 @!p0 s5, $0x0  }
0x1f: {  	s9 =	smul.u32 $0xF7A, s1;
	s8 =	simm.s32 @!p0 $0x1BF5;
	p2 =	por !p2, p0  }
0x20: {  	[sflag:s8] =	ssyncset.s32 @!p0 $0xFFFFF086;
	s6 =	sadd.s32 @!p0 s3, s7;
	s7 =	simm.s32 @!p0 $0x108  }
0x21: {  	s3 =	sadd.s32 s3, s9;
	s6 =	sadd.s32 @!p0 $0x88, s6;
	s7 =	simm.s32 @p2 $0x1082  }
0x22: {  	[simem:s7], [sflag:s8] =	dma.local @!p0 [hbm:s6], $0xF7A  }
0x23: {  	s9 =	sor.u32 $0xD0000000, s2;
	s6 =	simm.s32 $0x108;
	_ =	swait.ge @!p0 [sflag:s8], $0x0  }
0x24: {  	s3 =	sadd.s32 $0x88, s3;
	s6 =	simm.s32 @!p1 $0x1082;
	[sflag:s4] =	ssyncset.s32 $0xFFFFF086  }
0x25: {  	[simem:s6], [sflag:s4] =	dma.local [hbm:s3], $0xF7A  }
0x26: {  	[smem:$0x3F95] =	sst s1;
	(tag) =	ssettag s2;
	_ =	strace s9  }
0x27: {  	s1 =	sld [smem:$0x3FA5]  }
0x28: {  	s2 =	sld [smem:$0x3FA6]  }
0x29: {  	s4 =	sld [smem:$0x3FA8]  }
0x2a: {  	p0 =	seq.s32 s5, $0x0;
	s5 =	sld [smem:$0x3FA9]  }
0x2b: {  	s6 =	sld [smem:$0x3FAA]  }
0x2c: {  	s7 =	sld [smem:$0x3FAB]  }
0x2d: {  	s3 =	simm.s32 $0x108;
	s8 =	sld [smem:$0x3FAC]  }
0x2e: {  	s3 =	simm.s32 @!p0 $0x1082;
	s9 =	sld [smem:$0x3FAD]  }
0x2f: {  	lr =	sadd.s32 s0, s3;
	s0 =	sld [smem:$0x3FA4]  }
0x30: {  	s3 =	sld [smem:$0x3FA7]  }
0x31: {  	[smem:$0x3FB0] =	sst s10  }
0x32: {  	s10 =	sld [smem:$0x3FAE];
	_ =	sdelay $0x3  }
0x33: {  	p0 =	seq.s32 s10, $0x1;
	s10 =	sld [smem:$0x3FB0];
	_ =	sdelay $0x3  }
0x34: {  	[smem:$0x3FB0] =	sst s10  }
0x35: {  	s10 =	sld [smem:$0x3FAF];
	_ =	sdelay $0x3  }
0x36: {  	p1 =	seq.s32 s10, $0x1;
	s10 =	sld [smem:$0x3FB0];
	_ =	sdelay $0x3  }
0x37: {  	[smem:$0x3FB0] =	sst s10  }
0x38: {  	s10 =	sld [smem:$0x3FB1]  }
0x39: {  	_ = 	snop;
	(pc) =	sbr.ind lr, $3  }
0x3a: {  	_ = 	snop  }
0x3b: {  	_ = 	snop  }
0x3c: {  	p2 =	seq.s32 s10, $0x1;
	s10 =	sld [smem:$0x3FB0]  }
0x3d: {  	_ =	shalt  }
0x3e: {  	_ =	shalt  }
0x3f: {  	_ =	shalt  }
0x40: {  	_ =	shalt  }
0x41: {  	_ =	shalt  }
0x42: {  	_ =	shalt  }
0x43: {  	_ =	shalt  }
0x44: {  	_ =	shalt  }
0x45: {  	_ =	shalt  }
0x46: {  	_ =	shalt  }
0x47: {  	_ =	shalt  }
0x48: {  	_ =	shalt  }
0x49: {  	_ =	shalt  }
0x4a: {  	_ =	shalt  }
0x4b: {  	_ =	shalt  }
0x4c: {  	_ =	shalt  }
0x4d: {  	_ =	shalt  }
0x4e: {  	_ =	shalt  }
0x4f: {  	_ =	shalt  }
0x50: {  	_ =	shalt  }
0x51: {  	_ =	shalt  }
0x52: {  	_ =	shalt  }
0x53: {  	_ =	shalt  }
0x54: {  	_ =	shalt  }
0x55: {  	_ =	shalt  }
0x56: {  	_ =	shalt  }
0x57: {  	_ =	shalt  }
0x58: {  	_ =	shalt  }
0x59: {  	_ =	shalt  }
0x5a: {  	_ =	shalt  }
0x5b: {  	_ =	shalt  }
0x5c: {  	_ =	shalt  }
0x5d: {  	_ =	shalt  }
0x5e: {  	_ =	shalt  }
0x5f: {  	_ =	shalt  }
0x60: {  	_ =	shalt  }
0x61: {  	_ =	shalt  }
0x62: {  	_ =	shalt  }
0x63: {  	_ =	shalt  }
0x64: {  	_ =	shalt  }
0x65: {  	_ =	shalt  }
0x66: {  	_ =	shalt  }
0x67: {  	_ =	shalt  }
0x68: {  	_ =	shalt  }
0x69: {  	_ =	shalt  }
0x6a: {  	_ =	shalt  }
0x6b: {  	_ =	shalt  }
0x6c: {  	_ =	shalt  }
0x6d: {  	_ =	shalt  }
0x6e: {  	_ =	shalt  }
0x6f: {  	_ =	shalt  }
0x70: {  	_ =	shalt  }
0x71: {  	_ =	shalt  }
0x72: {  	_ =	shalt  }
0x73: {  	_ =	shalt  }
0x74: {  	_ =	shalt  }
0x75: {  	_ =	shalt  }
0x76: {  	_ =	shalt  }
0x77: {  	_ =	shalt  }
0x78: {  	_ =	shalt  }
0x79: {  	_ =	shalt  }
0x7a: {  	_ =	shalt  }
0x7b: {  	_ =	shalt  }
0x7c: {  	_ =	shalt  }
0x7d: {  	_ =	shalt  }
0x7e: {  	_ =	shalt  }
0x7f: {  	_ =	shalt  }
0x80: {  	_ =	shalt  }
0x81: {  	_ =	shalt  }
0x82: {  	_ =	shalt  }
0x83: {  	_ =	shalt  }
0x84: {  	_ =	shalt  }
0x85: {  	_ =	shalt  }
0x86: {  	_ =	shalt  }
0x87: {  	_ =	shalt  }
.Lfunc_end0:
.L_simem_size_0:
called_computation_lowered:
.L_overlay_start_0:
0x88: {  	s2 =	sld [smem:$0x3FD9]  }
0x89: {  	s3 =	sld [smem:$0x3FFE];
	_ =	sdelay $0x1  }
0x8a: {  	s1 =	srdreg.scid  }
0x8b: {  	s0 =	sand.u32 $0x1, s1  }
0x8c: {  	s14 =	sshll.u32 s0, $0xA;
	s2 =	sadd.s32 s3, s2  }
0x8d: {  	s2 =	sadd.s32 s2, s14  }
0x8e: {  	[smem:$0x3FBC] =	sst s2  }
0x8f: {  	_ = 	snop  }
0x90: {  	s2 =	sld [smem:$0x3FD0];
	_ =	sdelay $0x2  }
0x91: {  	s15 =	simm.s32 $0xA;
	s4 =	simm.s32 $0x10  }
0x92: {  	[smem:s4], [sflag:s15] =	dma.local [hbm:s2], $0x1  }
0x93: {  	_ =	swait.eq [sflag:s15], $0x1  }
0x94: {  	[sflag:s15] =	ssyncset.done $0x0  }
0x95: {  	[sflag:s15] =	ssyncadd.s32 $0xFFFFFFFF  }
0x96: {  	s16 =	sld [smem:$0x12];
	(tm) =	ssettm $0x1  }
0x97: {  	s17 =	sld [smem:$0x3FFB];
	_ =	sdelay $0x3  }
0x98: {  	_ =	strace s17  }
0x99: {  	s3 =	sld [smem:$0x3FFC];
	_ =	sdelay $0x3  }
0x9a: {  	_ =	strace s3  }
0x9b: {  	s3 =	sld [smem:$0x3FFD];
	_ =	sdelay $0x3  }
0x9c: {  	_ =	strace s3  }
0x9d: {  	_ =	strace $0x8FFFFFFF  }
0x9e: {  	s18 =	sld [smem:$0x3FDB];
	_ =	sdelay $0x1  }
0x9f: {  	s19 =	simm.s32 $_scs_section_size  }
0xa0: {  	s5 =	simm.s32 $_size__tile_overlayer_lowered;
	s6 =	simm.s32 $_tile_overlayer_lowered  }
0xa1: {  	s22 =	simm.s32 $0x1BFF;
	s21 =	sshll.u32 s6, $0x1;
	s3 =	sadd.s32 s19, s18  }
0xa2: {  	s7 =	simm.s32 $0x0;
	s20 =	sshll.u32 s5, $0x1;
	s5 =	sadd.s32 s21, s3  }
0xa3: {  	[timem:s7], [sflag:s22] =	dma.local [hbm:s5], s20  }
0xa4: {  	_ =	swait.ge [sflag:s22], s20  }
0xa5: {  	s4 =	ssub.s32 $0x0, s20;
	[sflag:s22] =	ssyncset.done $0x0  }
0xa6: {  	[sflag:s22] =	ssyncadd.s32 s4;
	_ =	sdelay $0x1  }
0xa7: {  	s23 =	simm.s32 $0x1B8B  }
0xa8: {  	_ =	swait.ge [sflag:s23], $0x1  }
0xa9: {  	[sflag:s23] =	ssyncset.done $0x0  }
0xaa: {  	s25 =	simm.s32 $0x1B8E;
	s24 =	sld [smem:$0x3FFE];
	[sflag:s23] =	ssyncadd.s32 $0xFFFFFFFF  }
0xab: {  	s26 =	simm.s32 $execute0_lowered;
	[smem:$0x3FD2] =	sst s25  }
0xac: {  	s5 =	sshll.u32 s26, $0x1;
	_ =	strace $0x80000046;
	[dreg:$0x1] =	wrdreg $0xFFFFFFFF  }
0xad: {  	s28 =	simm.s32 $_size_execute0_lowered;
	s3 =	sadd.s32 s3, s5;
	[dreg:$0x0] =	wrdreg $0x0  }
0xae: {  	s5 =	sshll.u32 s28, $0x1;
	[dreg:$0x2] =	wrdreg s3  }
0xaf: {  	[dreg:$0x3] =	wrdreg s5  }
0xb0: {  	[dreg:$0x4] =	wrdreg $0xC0  }
0xb1: {  	_ =	task [dreg:s7], $0x5FFFF  }
0xb2: {  	[dreg:$0x1] =	wrdreg $0xFFFFFFFF  }
0xb3: {  	[dreg:$0x0] =	wrdreg $0x60  }
0xb4: {  	[dreg:$0x2] =	wrdreg s16  }
0xb5: {  	[dreg:$0x3] =	wrdreg s24  }
0xb6: {  	[dreg:$0x4] =	wrdreg $0x9  }
0xb7: {  	_ =	task.clear_ibuf [dreg:s7], $0x5FFFF;
	_ =	strace $0x90000046  }
0xb8: {  	s29 =	simm.s32 $0x9;
	_ =	strace $0x80000048  }
0xb9: {  	_ =	swait.ge [sflag:s29], $0x1  }
0xba: {  	[sflag:s29] =	ssyncadd.s32 $0xFFFFFFFF  }
0xbb: {  	_ =	strace $0x90000048  }
0xbc: {  	_ =	sfence  }
0xbd: {  	s30 =	sld [smem:$0x0];
	_ =	sdelay $0x2  }
0xbe: {  	s31 =	sshll.u32 s1, $0xD;
	s1 =	sshrl.u32 s1, $0x2  }
0xbf: {  	s3 =	sand.u32 $0x4000, s31;
	s1 =	sadd.s32 s1, s30  }
0xc0: {  	s0 =	sor.u32 s3, s0;
	s1 =	sshll.u32 s1, $0x11  }
0xc1: {  	s0 =	sor.u32 s1, s0  }
0xc2: {  	s0 =	sadd.s32 $0x8F2B, s0  }
0xc3: {  	[sflag:s0] =	ssyncadd.remote.s32 $0x1  }
0xc4: {  	_ =	sfence.sel $0xFFFF  }
0xc5: {  	[dreg:$0x0] =	wrdreg $0xFFFFFFFF;
	(pc) =	sbr.abs _section_cstart, $3  }
0xc6: {  	[dreg:$0x1] =	wrdreg $0xFFFFFFFF  }
0xc7: {  	_ =	task.clear_ibuf [dreg:s7], $0x2FFFF;
	_ =	strace $0x9FFFFFFF  }
0xc8: {  	(tm) =	ssettm $0x7FFFFFFF  }
0xc9: {  	_ =	shalt  }
tec
execute0_lowered:
.L_overlay_start_1:
0x0: {  	(tag) =	ssettag $0x1  }
0x1: {  	s0 =	rddreg [dreg:$0x0];
	s1 =	srdreg.scid  }
0x2: {  	[dreg:$0x3] =	wrdreg s0;
	s4 =	sand.u32 $0x1, s1;
	s0 =	stileid.u32  }
0x3: {  	s2 =	sshll.u32 s0, $0x1;
	s3 =	ssub.s32 $0x0, s4  }
0x4: {  	p0 =	sne.s32 s2, s3  }
.Ltmp0:
0x5: {  	_ = 	snop;
	(pc) =	sbr.rel @p0 .LBB2_5-.Ltmp0, $3  }
0x6: {  	_ =	sdelay $0x1  }
0x7: {  	s5 =	rddreg [dreg:$0x2]  }
0x8: {  	s1 =	rddreg [dreg:$0x1];
	_ =	strace $0x80000047  }
0x9: {  	s3 =	sadd.s32 $0x1800, s1  }
0xa: {  	s2 =	sadd.s32 $0x4000, s1;
	s5 =	sadd.s32 $0x1900, s1;
	s6 =	sadd.s32 $0x1A00, s1  }
0xb: {  	s7 =	sadd.s32 $0x1B00, s1;
	s4 =	ssub.s32 $0x2, s4;
	s8 =	sadd.s32 $0x1C00, s1  }
0xc: {  	s9 =	sadd.s32 $0x1D00, s1;
	s11 =	sadd.s32 $0x1E00, s1;
	s12 =	sadd.s32 $0x1F00, s1  }
0xd: {  	s13 =	simm.s32 $0x80;
	s23 =	simm.s32 $0x880;
	s10 =	sshrl.u32 s4, $0x1  }
0xe: {  	s24 =	simm.s32 $0x1080;
	s25 =	simm.s32 $0x1880;
	s26 =	ssub.s32 s4, s10  }
0xf: {  	s20 =	simm.s32 $0x2880;
	s14 =	simm.s32 $0x3080;
	s1 =	smax.u32 s26, $0x1  }
0x10: {  	s15 =	simm.s32 $0x3880;
	s16 =	simm.s32 $0x4080;
	p1 =	sne.s32 s1, $0x1  }
.Ltmp1:
0x11: {  	s17 =	simm.s32 $0x4880;
	s18 =	simm.s32 $0x5080;
	(pc) =	sbr.rel @!p1 .LBB2_4-.Ltmp1, $4  }
0x12: {  	s19 =	simm.s32 $0x5880;
	s21 =	simm.s32 $0x6080;
	s22 =	simm.s32 $0x6880  }
0x13: {  	v2 =	vlaneseq.u32;
	p0 =	por $0x0, $0x0;
	s28 =	simm.s32 $0x7080;
	s30 =	simm.s32 $0x7880  }
0x14: {  	vm0 =	vmmov $0xffff;
	s29 =	simm.s32 $0x1;
	v0 =	vshrl.u32 v2, $0x3;
	s10 =	simm.s32 $0x0;
	s4 =	simm.s32 $0x2  }
0x15: {  	v1 =	vand.u32 $0x7, v2;
	v2 =	vor.u32 $0x8, v2;
	v0 =	vmul.u32 $0x8, v0;
	s26 =	simm.s32 $0x2080;
	s31 =	sadd.s32 $0xFFFFFFFF, s1;
	s1 =	rddreg [dreg:$0x3]  }
0x16: {  	[tilespmem:s10], [sflag:$0x2] =	stream.linear.gather [hbm4b:s1+s10], $0x80, $0x38;
	[tilespmem:$0x8080] =	vst v63  }
0x17: {  	_ =	swait.ge [sflag:s4], $0x80  }
0x18: {  	[sflag:s4] =	ssyncset.done $0x0  }
0x19: {  	[sflag:s4] =	ssyncadd.s32 $0xFFFFFF80  }
0x1a: {  	v3 =	vld [tilespmem:$0x0];
	_ =	sdelay $0x4  }
0x1b: {  	v4 =	vshll.u32 v3, $0x4  }
0x1c: {  	v3 =	vand.u32 $0x7, v3;
	v4 =	vand.u32 $0xFFFFFF80, v4  }
0x1d: {  	v3 =	vor.u32 v3, v4  }
0x1e: {  	v4 =	vperm.xlane v3, v1;
	_ =	sdelay $0x1  }
0x1f: {  	v4 =	vadd.s32 v0, v4;
	_ =	sdelay $0x4  }
0x20: {  	[tilespmem:s13], [sflag:$0x1] =	stream.indirect_vreg.gather [hbm4b:s3+s10], $0x80, v4, vm0, $0xb8;
	[tilespmem:$0x8080] =	vst v63  }
0x21: {  	_ = 	snop  }
0x22: {  	[tilespmem:s23], [sflag:$0x1] =	stream.indirect_vreg.gather [hbm4b:s5+s10], $0x80, v4, vm0, $0xb8;
	[tilespmem:$0x8080] =	vst v63  }
0x23: {  	_ = 	snop  }
0x24: {  	[tilespmem:s24], [sflag:$0x1] =	stream.indirect_vreg.gather [hbm4b:s6+s10], $0x80, v4, vm0, $0xb8;
	[tilespmem:$0x8080] =	vst v63  }
0x25: {  	_ = 	snop  }
0x26: {  	[tilespmem:s25], [sflag:$0x1] =	stream.indirect_vreg.gather [hbm4b:s7+s10], $0x80, v4, vm0, $0xb8;
	[tilespmem:$0x8080] =	vst v63  }
0x27: {  	_ = 	snop  }
0x28: {  	[tilespmem:s26], [sflag:$0x1] =	stream.indirect_vreg.gather [hbm4b:s8+s10], $0x80, v4, vm0, $0xb8;
	[tilespmem:$0x8080] =	vst v63  }
0x29: {  	v3 =	vperm.xlane v3, v2  }
0x2a: {  	[tilespmem:s20], [sflag:$0x1] =	stream.indirect_vreg.gather [hbm4b:s9+s10], $0x80, v4, vm0, $0xb8;
	[tilespmem:$0x8080] =	vst v63  }
0x2b: {  	v3 =	vadd.s32 v0, v3  }
0x2c: {  	[tilespmem:s14], [sflag:$0x1] =	stream.indirect_vreg.gather [hbm4b:s11+s10], $0x80, v4, vm0, $0xb8;
	[tilespmem:$0x8080] =	vst v63  }
0x2d: {  	_ = 	snop  }
0x2e: {  	[tilespmem:s15], [sflag:$0x1] =	stream.indirect_vreg.gather [hbm4b:s12+s10], $0x80, v4, vm0, $0xb8;
	[tilespmem:$0x8080] =	vst v63  }
0x2f: {  	_ = 	snop  }
0x30: {  	[tilespmem:s16], [sflag:$0x1] =	stream.indirect_vreg.gather [hbm4b:s3+s10], $0x80, v3, vm0, $0xb8;
	[tilespmem:$0x8080] =	vst v63  }
0x31: {  	_ = 	snop  }
0x32: {  	[tilespmem:s17], [sflag:$0x1] =	stream.indirect_vreg.gather [hbm4b:s5+s10], $0x80, v3, vm0, $0xb8;
	[tilespmem:$0x8080] =	vst v63  }
0x33: {  	_ = 	snop  }
0x34: {  	[tilespmem:s18], [sflag:$0x1] =	stream.indirect_vreg.gather [hbm4b:s6+s10], $0x80, v3, vm0, $0xb8;
	[tilespmem:$0x8080] =	vst v63  }
0x35: {  	_ = 	snop  }
0x36: {  	[tilespmem:s19], [sflag:$0x1] =	stream.indirect_vreg.gather [hbm4b:s7+s10], $0x80, v3, vm0, $0xb8;
	[tilespmem:$0x8080] =	vst v63  }
0x37: {  	_ = 	snop  }
0x38: {  	[tilespmem:s21], [sflag:$0x1] =	stream.indirect_vreg.gather [hbm4b:s8+s10], $0x80, v3, vm0, $0xb8;
	[tilespmem:$0x8080] =	vst v63  }
0x39: {  	_ = 	snop  }
0x3a: {  	[tilespmem:s22], [sflag:$0x1] =	stream.indirect_vreg.gather [hbm4b:s9+s10], $0x80, v3, vm0, $0xb8;
	[tilespmem:$0x8080] =	vst v63  }
0x3b: {  	_ = 	snop  }
0x3c: {  	[tilespmem:s28], [sflag:$0x1] =	stream.indirect_vreg.gather [hbm4b:s11+s10], $0x80, v3, vm0, $0xb8;
	[tilespmem:$0x8080] =	vst v63  }
0x3d: {  	_ = 	snop  }
0x3e: {  	[tilespmem:s30], [sflag:$0x1] =	stream.indirect_vreg.gather [hbm4b:s12+s10], $0x80, v3, vm0, $0xb8;
	[tilespmem:$0x8080] =	vst v63  }
0x3f: {  	p1 =	sne.s32 s31, $0x1;
	_ =	swait.ge [sflag:s29], $0x8000  }
.Ltmp2:
0x40: {  	[sflag:s29] =	ssyncset.done $0x0;
	(pc) =	sbr.rel @!p1 .LBB2_4-.Ltmp2, $4  }
0x41: {  	[sflag:s29] =	ssyncadd.s32 $0xFFFF8000  }
0x42: {  	[hbm4b:s2+s10] =	stream.linear.scatter [tilespmem:s13], [sflag:$0x2], $0x8000, $0x38;
	[tilespmem:$0x8080] =	vst v63  }
0x43: {  	s31 =	sadd.s32 $0xFFFFFFFF, s31;
	_ =	swait.ge [sflag:s4], $0x8000  }
0x44: {  	p0 =	por $0x1, $0x1;
	s1 =	rddreg [dreg:$0x3];
	[sflag:s4] =	ssyncset.done $0x0  }
.LBB2_3:
0x45: {  	[sflag:s4] =	ssyncadd.s32 $0xFFFF8000  }
0x46: {  	[tilespmem:s10], [sflag:$0x2] =	stream.linear.gather [hbm4b:s1+s10], $0x80, $0x38;
	[tilespmem:$0x8080] =	vst v63  }
0x47: {  	_ =	swait.ge [sflag:s4], $0x80  }
0x48: {  	[sflag:s4] =	ssyncset.done $0x0  }
0x49: {  	[sflag:s4] =	ssyncadd.s32 $0xFFFFFF80  }
0x4a: {  	v3 =	vld [tilespmem:$0x0];
	_ =	sdelay $0x4  }
0x4b: {  	v4 =	vshll.u32 v3, $0x4  }
0x4c: {  	v3 =	vand.u32 $0x7, v3;
	v4 =	vand.u32 $0xFFFFFF80, v4  }
0x4d: {  	v3 =	vor.u32 v3, v4  }
0x4e: {  	v4 =	vperm.xlane v3, v1;
	_ =	sdelay $0x1  }
0x4f: {  	v4 =	vadd.s32 v0, v4;
	_ =	sdelay $0x4  }
0x50: {  	[tilespmem:s13], [sflag:$0x1] =	stream.indirect_vreg.gather [hbm4b:s3+s10], $0x80, v4, vm0, $0xb8;
	[tilespmem:$0x8080] =	vst v63  }
0x51: {  	_ = 	snop  }
0x52: {  	[tilespmem:s23], [sflag:$0x1] =	stream.indirect_vreg.gather [hbm4b:s5+s10], $0x80, v4, vm0, $0xb8;
	[tilespmem:$0x8080] =	vst v63  }
0x53: {  	_ = 	snop  }
0x54: {  	[tilespmem:s24], [sflag:$0x1] =	stream.indirect_vreg.gather [hbm4b:s6+s10], $0x80, v4, vm0, $0xb8;
	[tilespmem:$0x8080] =	vst v63  }
0x55: {  	_ = 	snop  }
0x56: {  	[tilespmem:s25], [sflag:$0x1] =	stream.indirect_vreg.gather [hbm4b:s7+s10], $0x80, v4, vm0, $0xb8;
	[tilespmem:$0x8080] =	vst v63  }
0x57: {  	_ = 	snop  }
0x58: {  	[tilespmem:s26], [sflag:$0x1] =	stream.indirect_vreg.gather [hbm4b:s8+s10], $0x80, v4, vm0, $0xb8;
	[tilespmem:$0x8080] =	vst v63  }
0x59: {  	v3 =	vperm.xlane v3, v2  }
0x5a: {  	[tilespmem:s20], [sflag:$0x1] =	stream.indirect_vreg.gather [hbm4b:s9+s10], $0x80, v4, vm0, $0xb8;
	[tilespmem:$0x8080] =	vst v63  }
0x5b: {  	v3 =	vadd.s32 v0, v3  }
0x5c: {  	[tilespmem:s14], [sflag:$0x1] =	stream.indirect_vreg.gather [hbm4b:s11+s10], $0x80, v4, vm0, $0xb8;
	[tilespmem:$0x8080] =	vst v63  }
0x5d: {  	_ = 	snop  }
0x5e: {  	[tilespmem:s15], [sflag:$0x1] =	stream.indirect_vreg.gather [hbm4b:s12+s10], $0x80, v4, vm0, $0xb8;
	[tilespmem:$0x8080] =	vst v63  }
0x5f: {  	_ = 	snop  }
0x60: {  	[tilespmem:s16], [sflag:$0x1] =	stream.indirect_vreg.gather [hbm4b:s3+s10], $0x80, v3, vm0, $0xb8;
	[tilespmem:$0x8080] =	vst v63  }
0x61: {  	_ = 	snop  }
0x62: {  	[tilespmem:s17], [sflag:$0x1] =	stream.indirect_vreg.gather [hbm4b:s5+s10], $0x80, v3, vm0, $0xb8;
	[tilespmem:$0x8080] =	vst v63  }
0x63: {  	_ = 	snop  }
0x64: {  	[tilespmem:s18], [sflag:$0x1] =	stream.indirect_vreg.gather [hbm4b:s6+s10], $0x80, v3, vm0, $0xb8;
	[tilespmem:$0x8080] =	vst v63  }
0x65: {  	_ = 	snop  }
0x66: {  	[tilespmem:s19], [sflag:$0x1] =	stream.indirect_vreg.gather [hbm4b:s7+s10], $0x80, v3, vm0, $0xb8;
	[tilespmem:$0x8080] =	vst v63  }
0x67: {  	_ = 	snop  }
0x68: {  	[tilespmem:s21], [sflag:$0x1] =	stream.indirect_vreg.gather [hbm4b:s8+s10], $0x80, v3, vm0, $0xb8;
	[tilespmem:$0x8080] =	vst v63  }
0x69: {  	_ = 	snop  }
0x6a: {  	[tilespmem:s22], [sflag:$0x1] =	stream.indirect_vreg.gather [hbm4b:s9+s10], $0x80, v3, vm0, $0xb8;
	[tilespmem:$0x8080] =	vst v63  }
0x6b: {  	_ = 	snop  }
0x6c: {  	[tilespmem:s28], [sflag:$0x1] =	stream.indirect_vreg.gather [hbm4b:s11+s10], $0x80, v3, vm0, $0xb8;
	[tilespmem:$0x8080] =	vst v63  }
0x6d: {  	_ = 	snop  }
0x6e: {  	[tilespmem:s30], [sflag:$0x1] =	stream.indirect_vreg.gather [hbm4b:s12+s10], $0x80, v3, vm0, $0xb8;
	[tilespmem:$0x8080] =	vst v63  }
0x6f: {  	p1 =	sne.s32 s31, $0x1;
	_ =	swait.ge [sflag:s29], $0x8000  }
.Ltmp3:
0x70: {  	[sflag:s29] =	ssyncset.done $0x0;
	(pc) =	sbr.rel @p1 .LBB2_3-.Ltmp3, $4  }
0x71: {  	[sflag:s29] =	ssyncadd.s32 $0xFFFF8000  }
0x72: {  	[hbm4b:s2+s10] =	stream.linear.scatter [tilespmem:s13], [sflag:$0x2], $0x8000, $0x38;
	[tilespmem:$0x8080] =	vst v63  }
0x73: {  	_ =	swait.ge [sflag:s4], $0x8000  }
0x74: {  	s31 =	sadd.s32 $0xFFFFFFFF, s31;
	s1 =	rddreg [dreg:$0x3];
	[sflag:s4] =	ssyncset.done $0x0  }
.LBB2_4:
0x75: {  	[sflag:s4] =	ssyncadd.s32 @p0 $0xFFFF8000  }
0x76: {  	[tilespmem:s10], [sflag:$0x2] =	stream.linear.gather [hbm4b:s1+s10], $0x80, $0x38;
	[tilespmem:$0x8080] =	vst v63  }
0x77: {  	_ =	swait.ge [sflag:s4], $0x80  }
0x78: {  	[sflag:s4] =	ssyncset.done $0x0  }
0x79: {  	[sflag:s4] =	ssyncadd.s32 $0xFFFFFF80  }
0x7a: {  	v3 =	vld [tilespmem:$0x0];
	_ =	sdelay $0x4  }
0x7b: {  	v4 =	vshll.u32 v3, $0x4  }
0x7c: {  	v3 =	vand.u32 $0x7, v3;
	v4 =	vand.u32 $0xFFFFFF80, v4  }
0x7d: {  	v3 =	vor.u32 v3, v4  }
0x7e: {  	v1 =	vperm.xlane v3, v1;
	_ =	sdelay $0x1  }
0x7f: {  	v1 =	vadd.s32 v0, v1;
	_ =	sdelay $0x4  }
0x80: {  	[tilespmem:s13], [sflag:$0x1] =	stream.indirect_vreg.gather [hbm4b:s3+s10], $0x80, v1, vm0, $0xb8;
	[tilespmem:$0x8080] =	vst v63  }
0x81: {  	_ = 	snop  }
0x82: {  	[tilespmem:s23], [sflag:$0x1] =	stream.indirect_vreg.gather [hbm4b:s5+s10], $0x80, v1, vm0, $0xb8;
	[tilespmem:$0x8080] =	vst v63  }
0x83: {  	_ = 	snop  }
0x84: {  	[tilespmem:s24], [sflag:$0x1] =	stream.indirect_vreg.gather [hbm4b:s6+s10], $0x80, v1, vm0, $0xb8;
	[tilespmem:$0x8080] =	vst v63  }
0x85: {  	_ = 	snop  }
0x86: {  	[tilespmem:s25], [sflag:$0x1] =	stream.indirect_vreg.gather [hbm4b:s7+s10], $0x80, v1, vm0, $0xb8;
	[tilespmem:$0x8080] =	vst v63  }
0x87: {  	_ = 	snop  }
0x88: {  	[tilespmem:s26], [sflag:$0x1] =	stream.indirect_vreg.gather [hbm4b:s8+s10], $0x80, v1, vm0, $0xb8;
	[tilespmem:$0x8080] =	vst v63  }
0x89: {  	v2 =	vperm.xlane v3, v2  }
0x8a: {  	[tilespmem:s20], [sflag:$0x1] =	stream.indirect_vreg.gather [hbm4b:s9+s10], $0x80, v1, vm0, $0xb8;
	[tilespmem:$0x8080] =	vst v63  }
0x8b: {  	v63 =	vadd.s32 v0, v2  }
0x8c: {  	[tilespmem:s14], [sflag:$0x1] =	stream.indirect_vreg.gather [hbm4b:s11+s10], $0x80, v1, vm0, $0xb8;
	[tilespmem:$0x8080] =	vst v63  }
0x8d: {  	_ = 	snop  }
0x8e: {  	[tilespmem:s15], [sflag:$0x1] =	stream.indirect_vreg.gather [hbm4b:s12+s10], $0x80, v1, vm0, $0xb8;
	[tilespmem:$0x8080] =	vst v63  }
0x8f: {  	_ = 	snop  }
0x90: {  	[tilespmem:s16], [sflag:$0x1] =	stream.indirect_vreg.gather [hbm4b:s3+s10], $0x80, v63, vm0, $0xb8;
	[tilespmem:$0x8080] =	vst v63  }
0x91: {  	_ = 	snop  }
0x92: {  	[tilespmem:s17], [sflag:$0x1] =	stream.indirect_vreg.gather [hbm4b:s5+s10], $0x80, v63, vm0, $0xb8;
	[tilespmem:$0x8080] =	vst v63  }
0x93: {  	_ = 	snop  }
0x94: {  	[tilespmem:s18], [sflag:$0x1] =	stream.indirect_vreg.gather [hbm4b:s6+s10], $0x80, v63, vm0, $0xb8;
	[tilespmem:$0x8080] =	vst v63  }
0x95: {  	_ = 	snop  }
0x96: {  	[tilespmem:s19], [sflag:$0x1] =	stream.indirect_vreg.gather [hbm4b:s7+s10], $0x80, v63, vm0, $0xb8;
	[tilespmem:$0x8080] =	vst v63  }
0x97: {  	_ = 	snop  }
0x98: {  	[tilespmem:s21], [sflag:$0x1] =	stream.indirect_vreg.gather [hbm4b:s8+s10], $0x80, v63, vm0, $0xb8;
	[tilespmem:$0x8080] =	vst v63  }
0x99: {  	_ = 	snop  }
0x9a: {  	[tilespmem:s22], [sflag:$0x1] =	stream.indirect_vreg.gather [hbm4b:s9+s10], $0x80, v63, vm0, $0xb8;
	[tilespmem:$0x8080] =	vst v63  }
0x9b: {  	_ = 	snop  }
0x9c: {  	[tilespmem:s28], [sflag:$0x1] =	stream.indirect_vreg.gather [hbm4b:s11+s10], $0x80, v63, vm0, $0xb8;
	[tilespmem:$0x8080] =	vst v63  }
0x9d: {  	_ = 	snop  }
0x9e: {  	[tilespmem:s30], [sflag:$0x1] =	stream.indirect_vreg.gather [hbm4b:s12+s10], $0x80, v63, vm0, $0xb8;
	[tilespmem:$0x8080] =	vst v63  }
0x9f: {  	_ =	swait.ge [sflag:s29], $0x8000  }
0xa0: {  	[sflag:s29] =	ssyncset.done $0x0  }
0xa1: {  	[sflag:s29] =	ssyncadd.s32 $0xFFFF8000  }
0xa2: {  	[hbm4b:s2+s10] =	stream.linear.scatter [tilespmem:s13], [sflag:$0x2], $0x8000, $0x38;
	[tilespmem:$0x8080] =	vst v63  }
0xa3: {  	_ =	swait.ge [sflag:s4], $0x8000  }
0xa4: {  	[sflag:s4] =	ssyncset.done $0x0  }
0xa5: {  	[sflag:s4] =	ssyncadd.s32 $0xFFFF8000  }
0xa6: {  	s5 =	rddreg [dreg:$0x2]  }
.LBB2_5:
0xa7: {  	_ =	sfence.sel $0x180000  }
0xa8: {  	[bflag:$0x0] =	sbarrier.arrive $0xFFFF  }
0xa9: {  	p0 =	sne.s32 s0, $0x0;
	_ =	strace $0x90000047  }
0xaa: {  	s0 =	sadd.s32 @!p0 $0x100000, s5;
	[bflag:$0x2] =	sbarrier.arrive $0xFFFF  }
0xab: {  	[sflag:s0] =	ssyncadd.tile.s32 @!p0 $0x1;
	_ =	shalt  }
.Lfunc_end2:
_tile_overlayer_lowered:
.L_overlay_start_2:
0xac: {  	(tag) =	ssettag $0x2  }
0xad: {  	s0 =	rddreg [dreg:$0x0];
	s2 =	stileid.u32  }
0xae: {  	s1 =	rddreg [dreg:$0x1];
	p0 =	sne.s32 s2, $0x0  }
0xaf: {  	s3 =	rddreg [dreg:$0x2];
	[bflag:$0x3] =	sbarrier.arrive $0xFFFF;
	s2 =	simm.s32 @!p0 $0x1C02  }
0xb0: {  	[timem:s3], [sflag:s2] =	dma.local @!p0 [hbm:s0], s1  }
0xb1: {  	s0 =	simm.s32 @!p0 $0x2  }
0xb2: {  	_ =	swait.ge @!p0 [sflag:s0], s1  }
0xb3: {  	s1 =	ssub.s32 @!p0 $0x0, s1;
	[sflag:s0] =	ssyncset.done @!p0 $0x0  }
0xb4: {  	[sflag:s0] =	ssyncadd.s32 @!p0 s1  }
0xb5: {  	[bflag:$0x3] =	sbarrier.arrive $0xFFFF  }
0xb6: {  	_ =	shalt  }

</sc_bundles>
